<compile_context>
chip_gen: v7x
topology: tpu7x:2x2x1
jax: 0.10.2.dev20260603
libtpu: 0.0.44.dev20260713+nightly
codegen_flags: <defaults>
</compile_context>

<pallas_src>
import functools

import jax
import jax.numpy as jnp
from jax import lax
from jax.experimental import pallas as pl
from jax.experimental.pallas import tpu as pltpu
from jax.experimental.pallas import tpu_sc as plsc

B = 4
S = 8192
D = 768
LANES = 16
NC = 2
NS = 16
NW = NC * NS
ROWS_PER_W = S // NW
K = 64
NCHUNK = ROWS_PER_W // K

BS = 512
NSB = S // BS


def _sc_gather(tidx_hbm, pos_hbm, rows_hbm, idx_v, t0_v, buf_v, sem_g,
               sem_o):
    wid = lax.axis_index("s") * NC + lax.axis_index("c")
    base = wid * ROWS_PER_W

    pltpu.sync_copy(tidx_hbm.at[pl.ds(0, LANES)], t0_v)
    pltpu.sync_copy(tidx_hbm.at[pl.ds(base, ROWS_PER_W)], idx_v)
    t0 = lax.gather(
        t0_v[...],
        jnp.zeros((LANES, 1), jnp.int32),
        dimension_numbers=lax.GatherDimensionNumbers(
            offset_dims=(), collapsed_slice_dims=(0,), start_index_map=(0,)),
        slice_sizes=(1,),
        mode=lax.GatherScatterMode.PROMISE_IN_BOUNDS)
    for j in range(ROWS_PER_W // LANES):
        sl = pl.ds(j * LANES, LANES)
        idx_v[sl] = idx_v[sl] - t0

    def gather(ci):
        return pltpu.async_copy(
            pos_hbm.at[idx_v.at[pl.ds(ci * K, K)]], buf_v.at[ci % 2], sem_g)

    def put(ci):
        return pltpu.async_copy(
            buf_v.at[ci % 2], rows_hbm.at[pl.ds(base + ci * K, K)], sem_o)

    g = {0: gather(0)}
    o = {}
    for ci in range(NCHUNK):
        g[ci].wait()
        o[ci] = put(ci)
        if ci >= 1:
            o[ci - 1].wait()
        if ci + 1 < NCHUNK:
            g[ci + 1] = gather(ci + 1)
    o[NCHUNK - 1].wait()


def _tc_add(rows_ref, enc_ref, out_ref):
    out_ref[...] = enc_ref[...] + rows_ref[...][None]


def _tc_add_call(rows, enc_inputs):
    return pl.pallas_call(
        _tc_add,
        grid=(NSB,),
        in_specs=[
            pl.BlockSpec((BS, D), lambda s: (s, 0)),
            pl.BlockSpec((B, BS, D), lambda s: (0, s, 0)),
        ],
        out_specs=pl.BlockSpec((B, BS, D), lambda s: (0, s, 0)),
        out_shape=jax.ShapeDtypeStruct((B, S, D), jnp.float32),
    )(rows, enc_inputs)


@jax.jit
def _run(enc_inputs, tindex, pos_table):
    mesh = plsc.VectorSubcoreMesh(core_axis_name="c", subcore_axis_name="s")
    gfn = functools.partial(
        pl.kernel,
        mesh=mesh,
        out_type=jax.ShapeDtypeStruct((S, D), jnp.float32),
        scratch_types=[
            pltpu.VMEM((ROWS_PER_W,), jnp.int32),
            pltpu.VMEM((LANES,), jnp.int32),
            pltpu.VMEM((2, K, D), jnp.float32),
            pltpu.SemaphoreType.DMA,
            pltpu.SemaphoreType.DMA,
        ],
    )(_sc_gather)
    rows = gfn(tindex, pos_table)
    return _tc_add_call(rows, enc_inputs)


def kernel(enc_inputs, tindex, pos_table):
    return _run(enc_inputs, tindex, pos_table)

# --- scband reference (transcript-rebuilt; emitter-appended) ---
"""Pipeline reference for scband-positional-encoding-11854109737499 (READ-ONLY COPY).

The authoritative reference and input builder live on the scoring server;
editing this copy changes nothing except your own understanding.
"""

import jax, jax.numpy as jnp
import numpy as np

B = 4
S = 8192
D_MODEL = 768
MAX_LEN = 50000


def _make_pos_table():
    # Faithful vectorized version of the original list-comprehension table:
    # pos_table[pos, i] = pos / 10000**(2*i/d_model), row 0 is zeros,
    # then sin on even columns, cos on odd columns (rows 1:).
    pos = np.arange(MAX_LEN, dtype=np.float64)[:, None]
    i = np.arange(D_MODEL, dtype=np.float64)[None, :]
    table = pos / np.power(10000.0, 2.0 * i / D_MODEL)
    table[0, :] = 0.0
    table[1:, 0::2] = np.sin(table[1:, 0::2])
    table[1:, 1::2] = np.cos(table[1:, 1::2])
    return jnp.asarray(table, dtype=jnp.float32)


def setup_inputs(seed: int = 0) -> dict:
    key = jax.random.key(seed)
    k1, k2 = jax.random.split(key)
    enc_inputs = jax.random.normal(k1, (B, S, D_MODEL), dtype=jnp.float32)
    tindex = jnp.sort(jax.random.randint(k2, (S,), 0, MAX_LEN, dtype=jnp.int32))
    pos_table = _make_pos_table()
    return {"enc_inputs": enc_inputs, "tindex": tindex, "pos_table": pos_table}


def reference(enc_inputs, tindex, pos_table):
    # tindex normalization relative to first timestep
    t = tindex - tindex[0]
    # gather positional rows and add (broadcasts [S, D] over [B, S, D])
    out = enc_inputs + jnp.take(pos_table, t, axis=0)
    # dropout in eval mode is identity
    return out

if __name__ == "__main__":
    import jax
    _d = setup_inputs()
    print(jax.jit(kernel)(*tuple(_d.values())))

</pallas_src>

<mosaic_0001>
#map = affine_map<(d0, d1) -> (0)>
#map1 = affine_map<(d0, d1) -> (0, 0)>
module attributes {stable_mosaic.version = 14 : i64} {
  func.func @_sc_gather(%arg0: i32, %arg1: i32, %arg2: memref<8192xi32, #tpu.memory_space<hbm>>, %arg3: memref<50000x768xf32, #tpu.memory_space<hbm>>, %arg4: memref<8192x768xf32, #tpu.memory_space<hbm>>, %arg5: memref<256xi32, #tpu.memory_space<vmem>>, %arg6: memref<16xi32, #tpu.memory_space<vmem>>, %arg7: memref<2x64x768xf32, #tpu.memory_space<vmem>>, %arg8: memref<!tpu.dma_semaphore, #tpu.memory_space<semaphore_mem>>, %arg9: memref<!tpu.dma_semaphore, #tpu.memory_space<semaphore_mem>>) attributes {dimension_semantics = [#tpu.dimension_semantics<core_parallel>, #tpu.dimension_semantics<subcore_parallel>], iteration_bounds = array<i64: 2, 16>, scalar_prefetch = 0 : i64, scratch_operands = 5 : i64, tpu.core_type = #tpu.core_type<sc_vector_subcore>, window_params = [{transform_indices = #map}, {transform_indices = #map1}, {transform_indices = #map1}]} {
    %mul3A = arith.constant 2 : i32
    %mul3A_0 = arith.muli %arg1, %mul3A : i32
    %add3A = arith.addi %mul3A_0, %arg0 : i32
    %mul3A_1 = arith.constant 256 : i32
    %mul3A_2 = arith.muli %add3A, %mul3A_1 : i32
    "tpu.region"() ({
      %run_scoped3A = tpu.sem_alloc : memref<!tpu.dma_semaphore, #tpu.memory_space<semaphore_mem>>
      %dma_start3A_323 = arith.constant 0 : i32
      %dma_start3A_324 = tpu.memref_slice %arg2[%dma_start3A_323] : memref<8192xi32, #tpu.memory_space<hbm>> -> memref<16xi32, #tpu.memory_space<hbm>>
      %dma_start3A_325 = arith.constant 0 : i32
      %dma_start3A_326 = tpu.memref_slice %arg2[%dma_start3A_325] : memref<8192xi32, #tpu.memory_space<hbm>> -> memref<16xi32, #tpu.memory_space<hbm>>
      tpu.enqueue_dma source(%dma_start3A_326 : memref<16xi32, #tpu.memory_space<hbm>>) target(%arg6 : memref<16xi32, #tpu.memory_space<vmem>>) target_semaphore(%run_scoped3A : memref<!tpu.dma_semaphore, #tpu.memory_space<semaphore_mem>>)
      %dma_wait3A_327 = arith.constant 0 : i32
      %dma_wait3A_328 = tpu.memref_slice %arg2[%dma_wait3A_327] : memref<8192xi32, #tpu.memory_space<hbm>> -> memref<16xi32, #tpu.memory_space<hbm>>
      %dma_wait3A_329 = arith.constant 0 : i32
      %dma_wait3A_330 = tpu.memref_slice %arg2[%dma_wait3A_329] : memref<8192xi32, #tpu.memory_space<hbm>> -> memref<16xi32, #tpu.memory_space<hbm>>
      tpu.wait_dma2 semaphore(%run_scoped3A : memref<!tpu.dma_semaphore, #tpu.memory_space<semaphore_mem>>) src(%dma_wait3A_330 : memref<16xi32, #tpu.memory_space<hbm>>) dst(%arg6 : memref<16xi32, #tpu.memory_space<vmem>>)
      tpu.yield
    }) : () -> ()
    "tpu.region"() ({
      %run_scoped3A = tpu.sem_alloc : memref<!tpu.dma_semaphore, #tpu.memory_space<semaphore_mem>>
      %dma_start3A_323 = tpu.memref_slice %arg2[%mul3A_2] : memref<8192xi32, #tpu.memory_space<hbm>> -> memref<256xi32, #tpu.memory_space<hbm>>
      %dma_start3A_324 = tpu.memref_slice %arg2[%mul3A_2] : memref<8192xi32, #tpu.memory_space<hbm>> -> memref<256xi32, #tpu.memory_space<hbm>>
      tpu.enqueue_dma source(%dma_start3A_324 : memref<256xi32, #tpu.memory_space<hbm>>) target(%arg5 : memref<256xi32, #tpu.memory_space<vmem>>) target_semaphore(%run_scoped3A : memref<!tpu.dma_semaphore, #tpu.memory_space<semaphore_mem>>)
      %dma_wait3A_325 = tpu.memref_slice %arg2[%mul3A_2] : memref<8192xi32, #tpu.memory_space<hbm>> -> memref<256xi32, #tpu.memory_space<hbm>>
      %dma_wait3A_326 = tpu.memref_slice %arg2[%mul3A_2] : memref<8192xi32, #tpu.memory_space<hbm>> -> memref<256xi32, #tpu.memory_space<hbm>>
      tpu.wait_dma2 semaphore(%run_scoped3A : memref<!tpu.dma_semaphore, #tpu.memory_space<semaphore_mem>>) src(%dma_wait3A_326 : memref<256xi32, #tpu.memory_space<hbm>>) dst(%arg5 : memref<256xi32, #tpu.memory_space<vmem>>)
      tpu.yield
    }) : () -> ()
    %get3A = arith.constant 0 : index
    %get3A_3 = tpu.vector_load %arg6[%get3A] {strides = array<i32>} : memref<16xi32, #tpu.memory_space<vmem>>, vector<16xi32>,
    %get3A_4 = vector.shape_cast %get3A_3 : vector<16xi32> to vector<16xi32>
    %broadcast_in_dim3A = arith.constant 0 : i32
    %broadcast_in_dim3A_5 = vector.broadcast %broadcast_in_dim3A : i32 to vector<16x1xi32>
    %gather3A = vector.shape_cast %broadcast_in_dim3A_5 : vector<16x1xi32> to vector<16xi32>
    %gather3A_6 = tpu.dynamic_gather %get3A_4[%gather3A] in [0] : vector<16xi32>, vector<16xi32> -> vector<16xi32>
    %get3A_7 = arith.constant 0 : index
    %get3A_8 = tpu.vector_load %arg5[%get3A_7] {strides = array<i32>} : memref<256xi32, #tpu.memory_space<vmem>>, vector<16xi32>,
    %get3A_9 = vector.shape_cast %get3A_8 : vector<16xi32> to vector<16xi32>
    %sub3A = arith.subi %get3A_9, %gather3A_6 : vector<16xi32>
    %swap3A = arith.constant 0 : index
    %swap3A_10 = tpu.vector_load %arg5[%swap3A] {strides = array<i32>} : memref<256xi32, #tpu.memory_space<vmem>>, vector<16xi32>,
    %swap3A_11 = vector.shape_cast %swap3A_10 : vector<16xi32> to vector<16xi32>
    %swap3A_12 = vector.shape_cast %sub3A : vector<16xi32> to vector<16xi32>
    tpu.vector_store %arg5[%swap3A], %swap3A_12 {strides = array<i32>} : memref<256xi32, #tpu.memory_space<vmem>>, vector<16xi32>,
    %get3A_13 = arith.constant 16 : index
    %get3A_14 = tpu.vector_load %arg5[%get3A_13] {strides = array<i32>} : memref<256xi32, #tpu.memory_space<vmem>>, vector<16xi32>,
    %get3A_15 = vector.shape_cast %get3A_14 : vector<16xi32> to vector<16xi32>
    %sub3A_16 = arith.subi %get3A_15, %gather3A_6 : vector<16xi32>
    %swap3A_17 = arith.constant 16 : index
    %swap3A_18 = tpu.vector_load %arg5[%swap3A_17] {strides = array<i32>} : memref<256xi32, #tpu.memory_space<vmem>>, vector<16xi32>,
    %swap3A_19 = vector.shape_cast %swap3A_18 : vector<16xi32> to vector<16xi32>
    %swap3A_20 = vector.shape_cast %sub3A_16 : vector<16xi32> to vector<16xi32>
    tpu.vector_store %arg5[%swap3A_17], %swap3A_20 {strides = array<i32>} : memref<256xi32, #tpu.memory_space<vmem>>, vector<16xi32>,
    %get3A_21 = arith.constant 32 : index
    %get3A_22 = tpu.vector_load %arg5[%get3A_21] {strides = array<i32>} : memref<256xi32, #tpu.memory_space<vmem>>, vector<16xi32>,
    %get3A_23 = vector.shape_cast %get3A_22 : vector<16xi32> to vector<16xi32>
    %sub3A_24 = arith.subi %get3A_23, %gather3A_6 : vector<16xi32>
    %swap3A_25 = arith.constant 32 : index
    %swap3A_26 = tpu.vector_load %arg5[%swap3A_25] {strides = array<i32>} : memref<256xi32, #tpu.memory_space<vmem>>, vector<16xi32>,
    %swap3A_27 = vector.shape_cast %swap3A_26 : vector<16xi32> to vector<16xi32>
    %swap3A_28 = vector.shape_cast %sub3A_24 : vector<16xi32> to vector<16xi32>
    tpu.vector_store %arg5[%swap3A_25], %swap3A_28 {strides = array<i32>} : memref<256xi32, #tpu.memory_space<vmem>>, vector<16xi32>,
    %get3A_29 = arith.constant 48 : index
    %get3A_30 = tpu.vector_load %arg5[%get3A_29] {strides = array<i32>} : memref<256xi32, #tpu.memory_space<vmem>>, vector<16xi32>,
    %get3A_31 = vector.shape_cast %get3A_30 : vector<16xi32> to vector<16xi32>
    %sub3A_32 = arith.subi %get3A_31, %gather3A_6 : vector<16xi32>
    %swap3A_33 = arith.constant 48 : index
    %swap3A_34 = tpu.vector_load %arg5[%swap3A_33] {strides = array<i32>} : memref<256xi32, #tpu.memory_space<vmem>>, vector<16xi32>,
    %swap3A_35 = vector.shape_cast %swap3A_34 : vector<16xi32> to vector<16xi32>
    %swap3A_36 = vector.shape_cast %sub3A_32 : vector<16xi32> to vector<16xi32>
    tpu.vector_store %arg5[%swap3A_33], %swap3A_36 {strides = array<i32>} : memref<256xi32, #tpu.memory_space<vmem>>, vector<16xi32>,
    %get3A_37 = arith.constant 64 : index
    %get3A_38 = tpu.vector_load %arg5[%get3A_37] {strides = array<i32>} : memref<256xi32, #tpu.memory_space<vmem>>, vector<16xi32>,
    %get3A_39 = vector.shape_cast %get3A_38 : vector<16xi32> to vector<16xi32>
    %sub3A_40 = arith.subi %get3A_39, %gather3A_6 : vector<16xi32>
    %swap3A_41 = arith.constant 64 : index
    %swap3A_42 = tpu.vector_load %arg5[%swap3A_41] {strides = array<i32>} : memref<256xi32, #tpu.memory_space<vmem>>, vector<16xi32>,
    %swap3A_43 = vector.shape_cast %swap3A_42 : vector<16xi32> to vector<16xi32>
    %swap3A_44 = vector.shape_cast %sub3A_40 : vector<16xi32> to vector<16xi32>
    tpu.vector_store %arg5[%swap3A_41], %swap3A_44 {strides = array<i32>} : memref<256xi32, #tpu.memory_space<vmem>>, vector<16xi32>,
    %get3A_45 = arith.constant 80 : index
    %get3A_46 = tpu.vector_load %arg5[%get3A_45] {strides = array<i32>} : memref<256xi32, #tpu.memory_space<vmem>>, vector<16xi32>,
    %get3A_47 = vector.shape_cast %get3A_46 : vector<16xi32> to vector<16xi32>
    %sub3A_48 = arith.subi %get3A_47, %gather3A_6 : vector<16xi32>
    %swap3A_49 = arith.constant 80 : index
    %swap3A_50 = tpu.vector_load %arg5[%swap3A_49] {strides = array<i32>} : memref<256xi32, #tpu.memory_space<vmem>>, vector<16xi32>,
    %swap3A_51 = vector.shape_cast %swap3A_50 : vector<16xi32> to vector<16xi32>
    %swap3A_52 = vector.shape_cast %sub3A_48 : vector<16xi32> to vector<16xi32>
    tpu.vector_store %arg5[%swap3A_49], %swap3A_52 {strides = array<i32>} : memref<256xi32, #tpu.memory_space<vmem>>, vector<16xi32>,
    %get3A_53 = arith.constant 96 : index
    %get3A_54 = tpu.vector_load %arg5[%get3A_53] {strides = array<i32>} : memref<256xi32, #tpu.memory_space<vmem>>, vector<16xi32>,
    %get3A_55 = vector.shape_cast %get3A_54 : vector<16xi32> to vector<16xi32>
    %sub3A_56 = arith.subi %get3A_55, %gather3A_6 : vector<16xi32>
    %swap3A_57 = arith.constant 96 : index
    %swap3A_58 = tpu.vector_load %arg5[%swap3A_57] {strides = array<i32>} : memref<256xi32, #tpu.memory_space<vmem>>, vector<16xi32>,
    %swap3A_59 = vector.shape_cast %swap3A_58 : vector<16xi32> to vector<16xi32>
    %swap3A_60 = vector.shape_cast %sub3A_56 : vector<16xi32> to vector<16xi32>
    tpu.vector_store %arg5[%swap3A_57], %swap3A_60 {strides = array<i32>} : memref<256xi32, #tpu.memory_space<vmem>>, vector<16xi32>,
    %get3A_61 = arith.constant 112 : index
    %get3A_62 = tpu.vector_load %arg5[%get3A_61] {strides = array<i32>} : memref<256xi32, #tpu.memory_space<vmem>>, vector<16xi32>,
    %get3A_63 = vector.shape_cast %get3A_62 : vector<16xi32> to vector<16xi32>
    %sub3A_64 = arith.subi %get3A_63, %gather3A_6 : vector<16xi32>
    %swap3A_65 = arith.constant 112 : index
    %swap3A_66 = tpu.vector_load %arg5[%swap3A_65] {strides = array<i32>} : memref<256xi32, #tpu.memory_space<vmem>>, vector<16xi32>,
    %swap3A_67 = vector.shape_cast %swap3A_66 : vector<16xi32> to vector<16xi32>
    %swap3A_68 = vector.shape_cast %sub3A_64 : vector<16xi32> to vector<16xi32>
    tpu.vector_store %arg5[%swap3A_65], %swap3A_68 {strides = array<i32>} : memref<256xi32, #tpu.memory_space<vmem>>, vector<16xi32>,
    %get3A_69 = arith.constant 128 : index
    %get3A_70 = tpu.vector_load %arg5[%get3A_69] {strides = array<i32>} : memref<256xi32, #tpu.memory_space<vmem>>, vector<16xi32>,
    %get3A_71 = vector.shape_cast %get3A_70 : vector<16xi32> to vector<16xi32>
    %sub3A_72 = arith.subi %get3A_71, %gather3A_6 : vector<16xi32>
    %swap3A_73 = arith.constant 128 : index
    %swap3A_74 = tpu.vector_load %arg5[%swap3A_73] {strides = array<i32>} : memref<256xi32, #tpu.memory_space<vmem>>, vector<16xi32>,
    %swap3A_75 = vector.shape_cast %swap3A_74 : vector<16xi32> to vector<16xi32>
    %swap3A_76 = vector.shape_cast %sub3A_72 : vector<16xi32> to vector<16xi32>
    tpu.vector_store %arg5[%swap3A_73], %swap3A_76 {strides = array<i32>} : memref<256xi32, #tpu.memory_space<vmem>>, vector<16xi32>,
    %get3A_77 = arith.constant 144 : index
    %get3A_78 = tpu.vector_load %arg5[%get3A_77] {strides = array<i32>} : memref<256xi32, #tpu.memory_space<vmem>>, vector<16xi32>,
    %get3A_79 = vector.shape_cast %get3A_78 : vector<16xi32> to vector<16xi32>
    %sub3A_80 = arith.subi %get3A_79, %gather3A_6 : vector<16xi32>
    %swap3A_81 = arith.constant 144 : index
    %swap3A_82 = tpu.vector_load %arg5[%swap3A_81] {strides = array<i32>} : memref<256xi32, #tpu.memory_space<vmem>>, vector<16xi32>,
    %swap3A_83 = vector.shape_cast %swap3A_82 : vector<16xi32> to vector<16xi32>
    %swap3A_84 = vector.shape_cast %sub3A_80 : vector<16xi32> to vector<16xi32>
    tpu.vector_store %arg5[%swap3A_81], %swap3A_84 {strides = array<i32>} : memref<256xi32, #tpu.memory_space<vmem>>, vector<16xi32>,
    %get3A_85 = arith.constant 160 : index
    %get3A_86 = tpu.vector_load %arg5[%get3A_85] {strides = array<i32>} : memref<256xi32, #tpu.memory_space<vmem>>, vector<16xi32>,
    %get3A_87 = vector.shape_cast %get3A_86 : vector<16xi32> to vector<16xi32>
    %sub3A_88 = arith.subi %get3A_87, %gather3A_6 : vector<16xi32>
    %swap3A_89 = arith.constant 160 : index
    %swap3A_90 = tpu.vector_load %arg5[%swap3A_89] {strides = array<i32>} : memref<256xi32, #tpu.memory_space<vmem>>, vector<16xi32>,
    %swap3A_91 = vector.shape_cast %swap3A_90 : vector<16xi32> to vector<16xi32>
    %swap3A_92 = vector.shape_cast %sub3A_88 : vector<16xi32> to vector<16xi32>
    tpu.vector_store %arg5[%swap3A_89], %swap3A_92 {strides = array<i32>} : memref<256xi32, #tpu.memory_space<vmem>>, vector<16xi32>,
    %get3A_93 = arith.constant 176 : index
    %get3A_94 = tpu.vector_load %arg5[%get3A_93] {strides = array<i32>} : memref<256xi32, #tpu.memory_space<vmem>>, vector<16xi32>,
    %get3A_95 = vector.shape_cast %get3A_94 : vector<16xi32> to vector<16xi32>
    %sub3A_96 = arith.subi %get3A_95, %gather3A_6 : vector<16xi32>
    %swap3A_97 = arith.constant 176 : index
    %swap3A_98 = tpu.vector_load %arg5[%swap3A_97] {strides = array<i32>} : memref<256xi32, #tpu.memory_space<vmem>>, vector<16xi32>,
    %swap3A_99 = vector.shape_cast %swap3A_98 : vector<16xi32> to vector<16xi32>
    %swap3A_100 = vector.shape_cast %sub3A_96 : vector<16xi32> to vector<16xi32>
    tpu.vector_store %arg5[%swap3A_97], %swap3A_100 {strides = array<i32>} : memref<256xi32, #tpu.memory_space<vmem>>, vector<16xi32>,
    %get3A_101 = arith.constant 192 : index
    %get3A_102 = tpu.vector_load %arg5[%get3A_101] {strides = array<i32>} : memref<256xi32, #tpu.memory_space<vmem>>, vector<16xi32>,
    %get3A_103 = vector.shape_cast %get3A_102 : vector<16xi32> to vector<16xi32>
    %sub3A_104 = arith.subi %get3A_103, %gather3A_6 : vector<16xi32>
    %swap3A_105 = arith.constant 192 : index
    %swap3A_106 = tpu.vector_load %arg5[%swap3A_105] {strides = array<i32>} : memref<256xi32, #tpu.memory_space<vmem>>, vector<16xi32>,
    %swap3A_107 = vector.shape_cast %swap3A_106 : vector<16xi32> to vector<16xi32>
    %swap3A_108 = vector.shape_cast %sub3A_104 : vector<16xi32> to vector<16xi32>
    tpu.vector_store %arg5[%swap3A_105], %swap3A_108 {strides = array<i32>} : memref<256xi32, #tpu.memory_space<vmem>>, vector<16xi32>,
    %get3A_109 = arith.constant 208 : index
    %get3A_110 = tpu.vector_load %arg5[%get3A_109] {strides = array<i32>} : memref<256xi32, #tpu.memory_space<vmem>>, vector<16xi32>,
    %get3A_111 = vector.shape_cast %get3A_110 : vector<16xi32> to vector<16xi32>
    %sub3A_112 = arith.subi %get3A_111, %gather3A_6 : vector<16xi32>
    %swap3A_113 = arith.constant 208 : index
    %swap3A_114 = tpu.vector_load %arg5[%swap3A_113] {strides = array<i32>} : memref<256xi32, #tpu.memory_space<vmem>>, vector<16xi32>,
    %swap3A_115 = vector.shape_cast %swap3A_114 : vector<16xi32> to vector<16xi32>
    %swap3A_116 = vector.shape_cast %sub3A_112 : vector<16xi32> to vector<16xi32>
    tpu.vector_store %arg5[%swap3A_113], %swap3A_116 {strides = array<i32>} : memref<256xi32, #tpu.memory_space<vmem>>, vector<16xi32>,
    %get3A_117 = arith.constant 224 : index
    %get3A_118 = tpu.vector_load %arg5[%get3A_117] {strides = array<i32>} : memref<256xi32, #tpu.memory_space<vmem>>, vector<16xi32>,
    %get3A_119 = vector.shape_cast %get3A_118 : vector<16xi32> to vector<16xi32>
    %sub3A_120 = arith.subi %get3A_119, %gather3A_6 : vector<16xi32>
    %swap3A_121 = arith.constant 224 : index
    %swap3A_122 = tpu.vector_load %arg5[%swap3A_121] {strides = array<i32>} : memref<256xi32, #tpu.memory_space<vmem>>, vector<16xi32>,
    %swap3A_123 = vector.shape_cast %swap3A_122 : vector<16xi32> to vector<16xi32>
    %swap3A_124 = vector.shape_cast %sub3A_120 : vector<16xi32> to vector<16xi32>
    tpu.vector_store %arg5[%swap3A_121], %swap3A_124 {strides = array<i32>} : memref<256xi32, #tpu.memory_space<vmem>>, vector<16xi32>,
    %get3A_125 = arith.constant 240 : index
    %get3A_126 = tpu.vector_load %arg5[%get3A_125] {strides = array<i32>} : memref<256xi32, #tpu.memory_space<vmem>>, vector<16xi32>,
    %get3A_127 = vector.shape_cast %get3A_126 : vector<16xi32> to vector<16xi32>
    %sub3A_128 = arith.subi %get3A_127, %gather3A_6 : vector<16xi32>
    %swap3A_129 = arith.constant 240 : index
    %swap3A_130 = tpu.vector_load %arg5[%swap3A_129] {strides = array<i32>} : memref<256xi32, #tpu.memory_space<vmem>>, vector<16xi32>,
    %swap3A_131 = vector.shape_cast %swap3A_130 : vector<16xi32> to vector<16xi32>
    %swap3A_132 = vector.shape_cast %sub3A_128 : vector<16xi32> to vector<16xi32>
    tpu.vector_store %arg5[%swap3A_129], %swap3A_132 {strides = array<i32>} : memref<256xi32, #tpu.memory_space<vmem>>, vector<16xi32>,
    %dma_start3A = arith.constant 0 : i32
    %dma_start3A_133 = arith.constant 0 : i32
    %dma_start3A_134 = arith.constant 0 : i32
    %dma_start3A_135 = tpu.memref_slice %arg7[%dma_start3A, %dma_start3A_133, %dma_start3A_134] : memref<2x64x768xf32, #tpu.memory_space<vmem>> -> memref<1x64x768xf32, #tpu.memory_space<vmem>>
    %dma_start3A_136 = tpu.memref_squeeze %dma_start3A_135 : memref<1x64x768xf32, #tpu.memory_space<vmem>> -> memref<64x768xf32, #tpu.memory_space<vmem>>
    %dma_start3A_137 = arith.constant 0 : i32
    %dma_start3A_138 = tpu.memref_slice %arg5[%dma_start3A_137] : memref<256xi32, #tpu.memory_space<vmem>> -> memref<64xi32, #tpu.memory_space<vmem>>
    %dma_start3A_139 = arith.constant 0 : i32
    %dma_start3A_140 = arith.constant 0 : i32
    %dma_start3A_141 = tpu.memref_slice %arg3[%dma_start3A_139, %dma_start3A_140] : memref<50000x768xf32, #tpu.memory_space<hbm>> -> memref<50000x768xf32, #tpu.memory_space<hbm>>
    tpu.enqueue_indirect_dma source(%dma_start3A_141 : memref<50000x768xf32, #tpu.memory_space<hbm>>) target(%dma_start3A_136 : memref<64x768xf32, #tpu.memory_space<vmem>>) offsets(%dma_start3A_138 : memref<64xi32, #tpu.memory_space<vmem>>) semaphore(%arg8 : memref<!tpu.dma_semaphore, #tpu.memory_space<semaphore_mem>>)
    %dma_wait3A = arith.constant 0 : i32
    %dma_wait3A_142 = arith.constant 0 : i32
    %dma_wait3A_143 = arith.constant 0 : i32
    %dma_wait3A_144 = tpu.memref_slice %arg7[%dma_wait3A, %dma_wait3A_142, %dma_wait3A_143] : memref<2x64x768xf32, #tpu.memory_space<vmem>> -> memref<1x64x768xf32, #tpu.memory_space<vmem>>
    %dma_wait3A_145 = tpu.memref_squeeze %dma_wait3A_144 : memref<1x64x768xf32, #tpu.memory_space<vmem>> -> memref<64x768xf32, #tpu.memory_space<vmem>>
    %dma_wait3A_146 = arith.constant 0 : i32
    %dma_wait3A_147 = tpu.memref_slice %arg5[%dma_wait3A_146] : memref<256xi32, #tpu.memory_space<vmem>> -> memref<64xi32, #tpu.memory_space<vmem>>
    %dma_wait3A_148 = arith.constant 0 : i32
    %dma_wait3A_149 = arith.constant 0 : i32
    %dma_wait3A_150 = tpu.memref_slice %arg3[%dma_wait3A_148, %dma_wait3A_149] : memref<50000x768xf32, #tpu.memory_space<hbm>> -> memref<50000x768xf32, #tpu.memory_space<hbm>>
    tpu.wait_indirect_dma semaphore(%arg8 : memref<!tpu.dma_semaphore, #tpu.memory_space<semaphore_mem>>) src(%dma_wait3A_150 : memref<50000x768xf32, #tpu.memory_space<hbm>>) dst(%dma_wait3A_145 : memref<64x768xf32, #tpu.memory_space<vmem>>)
    %add3A_151 = arith.constant 0 : i32
    %add3A_152 = arith.addi %mul3A_2, %add3A_151 : i32
    %dma_start3A_153 = arith.constant 0 : i32
    %dma_start3A_154 = arith.constant 0 : i32
    %dma_start3A_155 = arith.constant 0 : i32
    %dma_start3A_156 = tpu.memref_slice %arg7[%dma_start3A_153, %dma_start3A_154, %dma_start3A_155] : memref<2x64x768xf32, #tpu.memory_space<vmem>> -> memref<1x64x768xf32, #tpu.memory_space<vmem>>
    %dma_start3A_157 = tpu.memref_squeeze %dma_start3A_156 : memref<1x64x768xf32, #tpu.memory_space<vmem>> -> memref<64x768xf32, #tpu.memory_space<vmem>>
    %dma_start3A_158 = arith.constant 0 : i32
    %dma_start3A_159 = tpu.memref_slice %arg4[%add3A_152, %dma_start3A_158] : memref<8192x768xf32, #tpu.memory_space<hbm>> -> memref<64x768xf32, #tpu.memory_space<hbm>>
    %dma_start3A_160 = arith.constant 0 : i32
    %dma_start3A_161 = tpu.memref_slice %arg4[%add3A_152, %dma_start3A_160] : memref<8192x768xf32, #tpu.memory_space<hbm>> -> memref<64x768xf32, #tpu.memory_space<hbm>>
    %dma_start3A_162 = arith.constant 0 : i32
    %dma_start3A_163 = arith.constant 0 : i32
    %dma_start3A_164 = tpu.memref_slice %arg7[%dma_start3A_153, %dma_start3A_162, %dma_start3A_163] : memref<2x64x768xf32, #tpu.memory_space<vmem>> -> memref<1x64x768xf32, #tpu.memory_space<vmem>>
    %dma_start3A_165 = tpu.memref_squeeze %dma_start3A_164 : memref<1x64x768xf32, #tpu.memory_space<vmem>> -> memref<64x768xf32, #tpu.memory_space<vmem>>
    tpu.enqueue_dma source(%dma_start3A_165 : memref<64x768xf32, #tpu.memory_space<vmem>>) target(%dma_start3A_161 : memref<64x768xf32, #tpu.memory_space<hbm>>) target_semaphore(%arg9 : memref<!tpu.dma_semaphore, #tpu.memory_space<semaphore_mem>>)
    %dma_start3A_166 = arith.constant 1 : i32
    %dma_start3A_167 = arith.constant 0 : i32
    %dma_start3A_168 = arith.constant 0 : i32
    %dma_start3A_169 = tpu.memref_slice %arg7[%dma_start3A_166, %dma_start3A_167, %dma_start3A_168] : memref<2x64x768xf32, #tpu.memory_space<vmem>> -> memref<1x64x768xf32, #tpu.memory_space<vmem>>
    %dma_start3A_170 = tpu.memref_squeeze %dma_start3A_169 : memref<1x64x768xf32, #tpu.memory_space<vmem>> -> memref<64x768xf32, #tpu.memory_space<vmem>>
    %dma_start3A_171 = arith.constant 64 : i32
    %dma_start3A_172 = tpu.memref_slice %arg5[%dma_start3A_171] : memref<256xi32, #tpu.memory_space<vmem>> -> memref<64xi32, #tpu.memory_space<vmem>>
    %dma_start3A_173 = arith.constant 0 : i32
    %dma_start3A_174 = arith.constant 0 : i32
    %dma_start3A_175 = tpu.memref_slice %arg3[%dma_start3A_173, %dma_start3A_174] : memref<50000x768xf32, #tpu.memory_space<hbm>> -> memref<50000x768xf32, #tpu.memory_space<hbm>>
    tpu.enqueue_indirect_dma source(%dma_start3A_175 : memref<50000x768xf32, #tpu.memory_space<hbm>>) target(%dma_start3A_170 : memref<64x768xf32, #tpu.memory_space<vmem>>) offsets(%dma_start3A_172 : memref<64xi32, #tpu.memory_space<vmem>>) semaphore(%arg8 : memref<!tpu.dma_semaphore, #tpu.memory_space<semaphore_mem>>)
    %dma_wait3A_176 = arith.constant 1 : i32
    %dma_wait3A_177 = arith.constant 0 : i32
    %dma_wait3A_178 = arith.constant 0 : i32
    %dma_wait3A_179 = tpu.memref_slice %arg7[%dma_wait3A_176, %dma_wait3A_177, %dma_wait3A_178] : memref<2x64x768xf32, #tpu.memory_space<vmem>> -> memref<1x64x768xf32, #tpu.memory_space<vmem>>
    %dma_wait3A_180 = tpu.memref_squeeze %dma_wait3A_179 : memref<1x64x768xf32, #tpu.memory_space<vmem>> -> memref<64x768xf32, #tpu.memory_space<vmem>>
    %dma_wait3A_181 = arith.constant 64 : i32
    %dma_wait3A_182 = tpu.memref_slice %arg5[%dma_wait3A_181] : memref<256xi32, #tpu.memory_space<vmem>> -> memref<64xi32, #tpu.memory_space<vmem>>
    %dma_wait3A_183 = arith.constant 0 : i32
    %dma_wait3A_184 = arith.constant 0 : i32
    %dma_wait3A_185 = tpu.memref_slice %arg3[%dma_wait3A_183, %dma_wait3A_184] : memref<50000x768xf32, #tpu.memory_space<hbm>> -> memref<50000x768xf32, #tpu.memory_space<hbm>>
    tpu.wait_indirect_dma semaphore(%arg8 : memref<!tpu.dma_semaphore, #tpu.memory_space<semaphore_mem>>) src(%dma_wait3A_185 : memref<50000x768xf32, #tpu.memory_space<hbm>>) dst(%dma_wait3A_180 : memref<64x768xf32, #tpu.memory_space<vmem>>)
    %add3A_186 = arith.constant 64 : i32
    %add3A_187 = arith.addi %mul3A_2, %add3A_186 : i32
    %dma_start3A_188 = arith.constant 1 : i32
    %dma_start3A_189 = arith.constant 0 : i32
    %dma_start3A_190 = arith.constant 0 : i32
    %dma_start3A_191 = tpu.memref_slice %arg7[%dma_start3A_188, %dma_start3A_189, %dma_start3A_190] : memref<2x64x768xf32, #tpu.memory_space<vmem>> -> memref<1x64x768xf32, #tpu.memory_space<vmem>>
    %dma_start3A_192 = tpu.memref_squeeze %dma_start3A_191 : memref<1x64x768xf32, #tpu.memory_space<vmem>> -> memref<64x768xf32, #tpu.memory_space<vmem>>
    %dma_start3A_193 = arith.constant 0 : i32
    %dma_start3A_194 = tpu.memref_slice %arg4[%add3A_187, %dma_start3A_193] : memref<8192x768xf32, #tpu.memory_space<hbm>> -> memref<64x768xf32, #tpu.memory_space<hbm>>
    %dma_start3A_195 = arith.constant 0 : i32
    %dma_start3A_196 = tpu.memref_slice %arg4[%add3A_187, %dma_start3A_195] : memref<8192x768xf32, #tpu.memory_space<hbm>> -> memref<64x768xf32, #tpu.memory_space<hbm>>
    %dma_start3A_197 = arith.constant 0 : i32
    %dma_start3A_198 = arith.constant 0 : i32
    %dma_start3A_199 = tpu.memref_slice %arg7[%dma_start3A_188, %dma_start3A_197, %dma_start3A_198] : memref<2x64x768xf32, #tpu.memory_space<vmem>> -> memref<1x64x768xf32, #tpu.memory_space<vmem>>
    %dma_start3A_200 = tpu.memref_squeeze %dma_start3A_199 : memref<1x64x768xf32, #tpu.memory_space<vmem>> -> memref<64x768xf32, #tpu.memory_space<vmem>>
    tpu.enqueue_dma source(%dma_start3A_200 : memref<64x768xf32, #tpu.memory_space<vmem>>) target(%dma_start3A_196 : memref<64x768xf32, #tpu.memory_space<hbm>>) target_semaphore(%arg9 : memref<!tpu.dma_semaphore, #tpu.memory_space<semaphore_mem>>)
    %dma_wait3A_201 = arith.constant 0 : i32
    %dma_wait3A_202 = arith.constant 0 : i32
    %dma_wait3A_203 = arith.constant 0 : i32
    %dma_wait3A_204 = tpu.memref_slice %arg7[%dma_wait3A_201, %dma_wait3A_202, %dma_wait3A_203] : memref<2x64x768xf32, #tpu.memory_space<vmem>> -> memref<1x64x768xf32, #tpu.memory_space<vmem>>
    %dma_wait3A_205 = tpu.memref_squeeze %dma_wait3A_204 : memref<1x64x768xf32, #tpu.memory_space<vmem>> -> memref<64x768xf32, #tpu.memory_space<vmem>>
    %dma_wait3A_206 = arith.constant 0 : i32
    %dma_wait3A_207 = tpu.memref_slice %arg4[%add3A_152, %dma_wait3A_206] : memref<8192x768xf32, #tpu.memory_space<hbm>> -> memref<64x768xf32, #tpu.memory_space<hbm>>
    %dma_wait3A_208 = arith.constant 0 : i32
    %dma_wait3A_209 = tpu.memref_slice %arg4[%add3A_152, %dma_wait3A_208] : memref<8192x768xf32, #tpu.memory_space<hbm>> -> memref<64x768xf32, #tpu.memory_space<hbm>>
    %dma_wait3A_210 = arith.constant 0 : i32
    %dma_wait3A_211 = arith.constant 0 : i32
    %dma_wait3A_212 = tpu.memref_slice %arg7[%dma_wait3A_201, %dma_wait3A_210, %dma_wait3A_211] : memref<2x64x768xf32, #tpu.memory_space<vmem>> -> memref<1x64x768xf32, #tpu.memory_space<vmem>>
    %dma_wait3A_213 = tpu.memref_squeeze %dma_wait3A_212 : memref<1x64x768xf32, #tpu.memory_space<vmem>> -> memref<64x768xf32, #tpu.memory_space<vmem>>
    tpu.wait_dma2 semaphore(%arg9 : memref<!tpu.dma_semaphore, #tpu.memory_space<semaphore_mem>>) src(%dma_wait3A_213 : memref<64x768xf32, #tpu.memory_space<vmem>>) dst(%dma_wait3A_209 : memref<64x768xf32, #tpu.memory_space<hbm>>)
    %dma_start3A_214 = arith.constant 0 : i32
    %dma_start3A_215 = arith.constant 0 : i32
    %dma_start3A_216 = arith.constant 0 : i32
    %dma_start3A_217 = tpu.memref_slice %arg7[%dma_start3A_214, %dma_start3A_215, %dma_start3A_216] : memref<2x64x768xf32, #tpu.memory_space<vmem>> -> memref<1x64x768xf32, #tpu.memory_space<vmem>>
    %dma_start3A_218 = tpu.memref_squeeze %dma_start3A_217 : memref<1x64x768xf32, #tpu.memory_space<vmem>> -> memref<64x768xf32, #tpu.memory_space<vmem>>
    %dma_start3A_219 = arith.constant 128 : i32
    %dma_start3A_220 = tpu.memref_slice %arg5[%dma_start3A_219] : memref<256xi32, #tpu.memory_space<vmem>> -> memref<64xi32, #tpu.memory_space<vmem>>
    %dma_start3A_221 = arith.constant 0 : i32
    %dma_start3A_222 = arith.constant 0 : i32
    %dma_start3A_223 = tpu.memref_slice %arg3[%dma_start3A_221, %dma_start3A_222] : memref<50000x768xf32, #tpu.memory_space<hbm>> -> memref<50000x768xf32, #tpu.memory_space<hbm>>
    tpu.enqueue_indirect_dma source(%dma_start3A_223 : memref<50000x768xf32, #tpu.memory_space<hbm>>) target(%dma_start3A_218 : memref<64x768xf32, #tpu.memory_space<vmem>>) offsets(%dma_start3A_220 : memref<64xi32, #tpu.memory_space<vmem>>) semaphore(%arg8 : memref<!tpu.dma_semaphore, #tpu.memory_space<semaphore_mem>>)
    %dma_wait3A_224 = arith.constant 0 : i32
    %dma_wait3A_225 = arith.constant 0 : i32
    %dma_wait3A_226 = arith.constant 0 : i32
    %dma_wait3A_227 = tpu.memref_slice %arg7[%dma_wait3A_224, %dma_wait3A_225, %dma_wait3A_226] : memref<2x64x768xf32, #tpu.memory_space<vmem>> -> memref<1x64x768xf32, #tpu.memory_space<vmem>>
    %dma_wait3A_228 = tpu.memref_squeeze %dma_wait3A_227 : memref<1x64x768xf32, #tpu.memory_space<vmem>> -> memref<64x768xf32, #tpu.memory_space<vmem>>
    %dma_wait3A_229 = arith.constant 128 : i32
    %dma_wait3A_230 = tpu.memref_slice %arg5[%dma_wait3A_229] : memref<256xi32, #tpu.memory_space<vmem>> -> memref<64xi32, #tpu.memory_space<vmem>>
    %dma_wait3A_231 = arith.constant 0 : i32
    %dma_wait3A_232 = arith.constant 0 : i32
    %dma_wait3A_233 = tpu.memref_slice %arg3[%dma_wait3A_231, %dma_wait3A_232] : memref<50000x768xf32, #tpu.memory_space<hbm>> -> memref<50000x768xf32, #tpu.memory_space<hbm>>
    tpu.wait_indirect_dma semaphore(%arg8 : memref<!tpu.dma_semaphore, #tpu.memory_space<semaphore_mem>>) src(%dma_wait3A_233 : memref<50000x768xf32, #tpu.memory_space<hbm>>) dst(%dma_wait3A_228 : memref<64x768xf32, #tpu.memory_space<vmem>>)
    %add3A_234 = arith.constant 128 : i32
    %add3A_235 = arith.addi %mul3A_2, %add3A_234 : i32
    %dma_start3A_236 = arith.constant 0 : i32
    %dma_start3A_237 = arith.constant 0 : i32
    %dma_start3A_238 = arith.constant 0 : i32
    %dma_start3A_239 = tpu.memref_slice %arg7[%dma_start3A_236, %dma_start3A_237, %dma_start3A_238] : memref<2x64x768xf32, #tpu.memory_space<vmem>> -> memref<1x64x768xf32, #tpu.memory_space<vmem>>
    %dma_start3A_240 = tpu.memref_squeeze %dma_start3A_239 : memref<1x64x768xf32, #tpu.memory_space<vmem>> -> memref<64x768xf32, #tpu.memory_space<vmem>>
    %dma_start3A_241 = arith.constant 0 : i32
    %dma_start3A_242 = tpu.memref_slice %arg4[%add3A_235, %dma_start3A_241] : memref<8192x768xf32, #tpu.memory_space<hbm>> -> memref<64x768xf32, #tpu.memory_space<hbm>>
    %dma_start3A_243 = arith.constant 0 : i32
    %dma_start3A_244 = tpu.memref_slice %arg4[%add3A_235, %dma_start3A_243] : memref<8192x768xf32, #tpu.memory_space<hbm>> -> memref<64x768xf32, #tpu.memory_space<hbm>>
    %dma_start3A_245 = arith.constant 0 : i32
    %dma_start3A_246 = arith.constant 0 : i32
    %dma_start3A_247 = tpu.memref_slice %arg7[%dma_start3A_236, %dma_start3A_245, %dma_start3A_246] : memref<2x64x768xf32, #tpu.memory_space<vmem>> -> memref<1x64x768xf32, #tpu.memory_space<vmem>>
    %dma_start3A_248 = tpu.memref_squeeze %dma_start3A_247 : memref<1x64x768xf32, #tpu.memory_space<vmem>> -> memref<64x768xf32, #tpu.memory_space<vmem>>
    tpu.enqueue_dma source(%dma_start3A_248 : memref<64x768xf32, #tpu.memory_space<vmem>>) target(%dma_start3A_244 : memref<64x768xf32, #tpu.memory_space<hbm>>) target_semaphore(%arg9 : memref<!tpu.dma_semaphore, #tpu.memory_space<semaphore_mem>>)
    %dma_wait3A_249 = arith.constant 1 : i32
    %dma_wait3A_250 = arith.constant 0 : i32
    %dma_wait3A_251 = arith.constant 0 : i32
    %dma_wait3A_252 = tpu.memref_slice %arg7[%dma_wait3A_249, %dma_wait3A_250, %dma_wait3A_251] : memref<2x64x768xf32, #tpu.memory_space<vmem>> -> memref<1x64x768xf32, #tpu.memory_space<vmem>>
    %dma_wait3A_253 = tpu.memref_squeeze %dma_wait3A_252 : memref<1x64x768xf32, #tpu.memory_space<vmem>> -> memref<64x768xf32, #tpu.memory_space<vmem>>
    %dma_wait3A_254 = arith.constant 0 : i32
    %dma_wait3A_255 = tpu.memref_slice %arg4[%add3A_187, %dma_wait3A_254] : memref<8192x768xf32, #tpu.memory_space<hbm>> -> memref<64x768xf32, #tpu.memory_space<hbm>>
    %dma_wait3A_256 = arith.constant 0 : i32
    %dma_wait3A_257 = tpu.memref_slice %arg4[%add3A_187, %dma_wait3A_256] : memref<8192x768xf32, #tpu.memory_space<hbm>> -> memref<64x768xf32, #tpu.memory_space<hbm>>
    %dma_wait3A_258 = arith.constant 0 : i32
    %dma_wait3A_259 = arith.constant 0 : i32
    %dma_wait3A_260 = tpu.memref_slice %arg7[%dma_wait3A_249, %dma_wait3A_258, %dma_wait3A_259] : memref<2x64x768xf32, #tpu.memory_space<vmem>> -> memref<1x64x768xf32, #tpu.memory_space<vmem>>
    %dma_wait3A_261 = tpu.memref_squeeze %dma_wait3A_260 : memref<1x64x768xf32, #tpu.memory_space<vmem>> -> memref<64x768xf32, #tpu.memory_space<vmem>>
    tpu.wait_dma2 semaphore(%arg9 : memref<!tpu.dma_semaphore, #tpu.memory_space<semaphore_mem>>) src(%dma_wait3A_261 : memref<64x768xf32, #tpu.memory_space<vmem>>) dst(%dma_wait3A_257 : memref<64x768xf32, #tpu.memory_space<hbm>>)
    %dma_start3A_262 = arith.constant 1 : i32
    %dma_start3A_263 = arith.constant 0 : i32
    %dma_start3A_264 = arith.constant 0 : i32
    %dma_start3A_265 = tpu.memref_slice %arg7[%dma_start3A_262, %dma_start3A_263, %dma_start3A_264] : memref<2x64x768xf32, #tpu.memory_space<vmem>> -> memref<1x64x768xf32, #tpu.memory_space<vmem>>
    %dma_start3A_266 = tpu.memref_squeeze %dma_start3A_265 : memref<1x64x768xf32, #tpu.memory_space<vmem>> -> memref<64x768xf32, #tpu.memory_space<vmem>>
    %dma_start3A_267 = arith.constant 192 : i32
    %dma_start3A_268 = tpu.memref_slice %arg5[%dma_start3A_267] : memref<256xi32, #tpu.memory_space<vmem>> -> memref<64xi32, #tpu.memory_space<vmem>>
    %dma_start3A_269 = arith.constant 0 : i32
    %dma_start3A_270 = arith.constant 0 : i32
    %dma_start3A_271 = tpu.memref_slice %arg3[%dma_start3A_269, %dma_start3A_270] : memref<50000x768xf32, #tpu.memory_space<hbm>> -> memref<50000x768xf32, #tpu.memory_space<hbm>>
    tpu.enqueue_indirect_dma source(%dma_start3A_271 : memref<50000x768xf32, #tpu.memory_space<hbm>>) target(%dma_start3A_266 : memref<64x768xf32, #tpu.memory_space<vmem>>) offsets(%dma_start3A_268 : memref<64xi32, #tpu.memory_space<vmem>>) semaphore(%arg8 : memref<!tpu.dma_semaphore, #tpu.memory_space<semaphore_mem>>)
    %dma_wait3A_272 = arith.constant 1 : i32
    %dma_wait3A_273 = arith.constant 0 : i32
    %dma_wait3A_274 = arith.constant 0 : i32
    %dma_wait3A_275 = tpu.memref_slice %arg7[%dma_wait3A_272, %dma_wait3A_273, %dma_wait3A_274] : memref<2x64x768xf32, #tpu.memory_space<vmem>> -> memref<1x64x768xf32, #tpu.memory_space<vmem>>
    %dma_wait3A_276 = tpu.memref_squeeze %dma_wait3A_275 : memref<1x64x768xf32, #tpu.memory_space<vmem>> -> memref<64x768xf32, #tpu.memory_space<vmem>>
    %dma_wait3A_277 = arith.constant 192 : i32
    %dma_wait3A_278 = tpu.memref_slice %arg5[%dma_wait3A_277] : memref<256xi32, #tpu.memory_space<vmem>> -> memref<64xi32, #tpu.memory_space<vmem>>
    %dma_wait3A_279 = arith.constant 0 : i32
    %dma_wait3A_280 = arith.constant 0 : i32
    %dma_wait3A_281 = tpu.memref_slice %arg3[%dma_wait3A_279, %dma_wait3A_280] : memref<50000x768xf32, #tpu.memory_space<hbm>> -> memref<50000x768xf32, #tpu.memory_space<hbm>>
    tpu.wait_indirect_dma semaphore(%arg8 : memref<!tpu.dma_semaphore, #tpu.memory_space<semaphore_mem>>) src(%dma_wait3A_281 : memref<50000x768xf32, #tpu.memory_space<hbm>>) dst(%dma_wait3A_276 : memref<64x768xf32, #tpu.memory_space<vmem>>)
    %add3A_282 = arith.constant 192 : i32
    %add3A_283 = arith.addi %mul3A_2, %add3A_282 : i32
    %dma_start3A_284 = arith.constant 1 : i32
    %dma_start3A_285 = arith.constant 0 : i32
    %dma_start3A_286 = arith.constant 0 : i32
    %dma_start3A_287 = tpu.memref_slice %arg7[%dma_start3A_284, %dma_start3A_285, %dma_start3A_286] : memref<2x64x768xf32, #tpu.memory_space<vmem>> -> memref<1x64x768xf32, #tpu.memory_space<vmem>>
    %dma_start3A_288 = tpu.memref_squeeze %dma_start3A_287 : memref<1x64x768xf32, #tpu.memory_space<vmem>> -> memref<64x768xf32, #tpu.memory_space<vmem>>
    %dma_start3A_289 = arith.constant 0 : i32
    %dma_start3A_290 = tpu.memref_slice %arg4[%add3A_283, %dma_start3A_289] : memref<8192x768xf32, #tpu.memory_space<hbm>> -> memref<64x768xf32, #tpu.memory_space<hbm>>
    %dma_start3A_291 = arith.constant 0 : i32
    %dma_start3A_292 = tpu.memref_slice %arg4[%add3A_283, %dma_start3A_291] : memref<8192x768xf32, #tpu.memory_space<hbm>> -> memref<64x768xf32, #tpu.memory_space<hbm>>
    %dma_start3A_293 = arith.constant 0 : i32
    %dma_start3A_294 = arith.constant 0 : i32
    %dma_start3A_295 = tpu.memref_slice %arg7[%dma_start3A_284, %dma_start3A_293, %dma_start3A_294] : memref<2x64x768xf32, #tpu.memory_space<vmem>> -> memref<1x64x768xf32, #tpu.memory_space<vmem>>
    %dma_start3A_296 = tpu.memref_squeeze %dma_start3A_295 : memref<1x64x768xf32, #tpu.memory_space<vmem>> -> memref<64x768xf32, #tpu.memory_space<vmem>>
    tpu.enqueue_dma source(%dma_start3A_296 : memref<64x768xf32, #tpu.memory_space<vmem>>) target(%dma_start3A_292 : memref<64x768xf32, #tpu.memory_space<hbm>>) target_semaphore(%arg9 : memref<!tpu.dma_semaphore, #tpu.memory_space<semaphore_mem>>)
    %dma_wait3A_297 = arith.constant 0 : i32
    %dma_wait3A_298 = arith.constant 0 : i32
    %dma_wait3A_299 = arith.constant 0 : i32
    %dma_wait3A_300 = tpu.memref_slice %arg7[%dma_wait3A_297, %dma_wait3A_298, %dma_wait3A_299] : memref<2x64x768xf32, #tpu.memory_space<vmem>> -> memref<1x64x768xf32, #tpu.memory_space<vmem>>
    %dma_wait3A_301 = tpu.memref_squeeze %dma_wait3A_300 : memref<1x64x768xf32, #tpu.memory_space<vmem>> -> memref<64x768xf32, #tpu.memory_space<vmem>>
    %dma_wait3A_302 = arith.constant 0 : i32
    %dma_wait3A_303 = tpu.memref_slice %arg4[%add3A_235, %dma_wait3A_302] : memref<8192x768xf32, #tpu.memory_space<hbm>> -> memref<64x768xf32, #tpu.memory_space<hbm>>
    %dma_wait3A_304 = arith.constant 0 : i32
    %dma_wait3A_305 = tpu.memref_slice %arg4[%add3A_235, %dma_wait3A_304] : memref<8192x768xf32, #tpu.memory_space<hbm>> -> memref<64x768xf32, #tpu.memory_space<hbm>>
    %dma_wait3A_306 = arith.constant 0 : i32
    %dma_wait3A_307 = arith.constant 0 : i32
    %dma_wait3A_308 = tpu.memref_slice %arg7[%dma_wait3A_297, %dma_wait3A_306, %dma_wait3A_307] : memref<2x64x768xf32, #tpu.memory_space<vmem>> -> memref<1x64x768xf32, #tpu.memory_space<vmem>>
    %dma_wait3A_309 = tpu.memref_squeeze %dma_wait3A_308 : memref<1x64x768xf32, #tpu.memory_space<vmem>> -> memref<64x768xf32, #tpu.memory_space<vmem>>
    tpu.wait_dma2 semaphore(%arg9 : memref<!tpu.dma_semaphore, #tpu.memory_space<semaphore_mem>>) src(%dma_wait3A_309 : memref<64x768xf32, #tpu.memory_space<vmem>>) dst(%dma_wait3A_305 : memref<64x768xf32, #tpu.memory_space<hbm>>)
    %dma_wait3A_310 = arith.constant 1 : i32
    %dma_wait3A_311 = arith.constant 0 : i32
    %dma_wait3A_312 = arith.constant 0 : i32
    %dma_wait3A_313 = tpu.memref_slice %arg7[%dma_wait3A_310, %dma_wait3A_311, %dma_wait3A_312] : memref<2x64x768xf32, #tpu.memory_space<vmem>> -> memref<1x64x768xf32, #tpu.memory_space<vmem>>
    %dma_wait3A_314 = tpu.memref_squeeze %dma_wait3A_313 : memref<1x64x768xf32, #tpu.memory_space<vmem>> -> memref<64x768xf32, #tpu.memory_space<vmem>>
    %dma_wait3A_315 = arith.constant 0 : i32
    %dma_wait3A_316 = tpu.memref_slice %arg4[%add3A_283, %dma_wait3A_315] : memref<8192x768xf32, #tpu.memory_space<hbm>> -> memref<64x768xf32, #tpu.memory_space<hbm>>
    %dma_wait3A_317 = arith.constant 0 : i32
    %dma_wait3A_318 = tpu.memref_slice %arg4[%add3A_283, %dma_wait3A_317] : memref<8192x768xf32, #tpu.memory_space<hbm>> -> memref<64x768xf32, #tpu.memory_space<hbm>>
    %dma_wait3A_319 = arith.constant 0 : i32
    %dma_wait3A_320 = arith.constant 0 : i32
    %dma_wait3A_321 = tpu.memref_slice %arg7[%dma_wait3A_310, %dma_wait3A_319, %dma_wait3A_320] : memref<2x64x768xf32, #tpu.memory_space<vmem>> -> memref<1x64x768xf32, #tpu.memory_space<vmem>>
    %dma_wait3A_322 = tpu.memref_squeeze %dma_wait3A_321 : memref<1x64x768xf32, #tpu.memory_space<vmem>> -> memref<64x768xf32, #tpu.memory_space<vmem>>
    tpu.wait_dma2 semaphore(%arg9 : memref<!tpu.dma_semaphore, #tpu.memory_space<semaphore_mem>>) src(%dma_wait3A_322 : memref<64x768xf32, #tpu.memory_space<vmem>>) dst(%dma_wait3A_318 : memref<64x768xf32, #tpu.memory_space<hbm>>)
    return
  }
}

module attributes {stable_mosaic.version = 14 : i64} {
  func.func @_tc_add(%arg0: i32, %arg1: memref<512x768xf32, #tpu.memory_space<vmem>>, %arg2: memref<4x512x768xf32, #tpu.memory_space<vmem>>, %arg3: memref<4x512x768xf32, #tpu.memory_space<vmem>>) attributes {dimension_semantics = [#tpu.dimension_semantics<arbitrary>], iteration_bounds = array<i64: 16>, scalar_prefetch = 0 : i64, scratch_operands = 0 : i64, tpu.core_type = #tpu.core_type<tc>, window_params = [{transform_indices = @transform_0, window_bounds = array<i64: 512, 768>}, {transform_indices = @transform_1, window_bounds = array<i64: 4, 512, 768>}, {transform_indices = @transform_2, window_bounds = array<i64: 4, 512, 768>}]} {
    %get3A = arith.constant 0 : index
    %get3A_0 = arith.constant 0 : index
    %get3A_1 = arith.constant 0 : index
    %get3A_2 = vector.load %arg2[%get3A, %get3A_0, %get3A_1] : memref<4x512x768xf32, #tpu.memory_space<vmem>>, vector<4x512x768xf32>
    %get3A_3 = arith.constant 0 : index
    %get3A_4 = arith.constant 0 : index
    %get3A_5 = vector.load %arg1[%get3A_3, %get3A_4] : memref<512x768xf32, #tpu.memory_space<vmem>>, vector<512x768xf32>
    %broadcast_in_dim3A = vector.shape_cast %get3A_5 : vector<512x768xf32> to vector<1x512x768xf32>
    %add3A = vector.broadcast %broadcast_in_dim3A : vector<1x512x768xf32> to vector<4x512x768xf32>
    %add3A_6 = arith.addf %get3A_2, %add3A : vector<4x512x768xf32>
    %swap3A = arith.constant 0 : index
    %swap3A_7 = arith.constant 0 : index
    %swap3A_8 = arith.constant 0 : index
    %swap3A_9 = vector.load %arg3[%swap3A, %swap3A_7, %swap3A_8] : memref<4x512x768xf32, #tpu.memory_space<vmem>>, vector<4x512x768xf32>
    tpu.vector_store %arg3[%swap3A, %swap3A_7, %swap3A_8], %add3A_6 {strides = array<i32>} : memref<4x512x768xf32, #tpu.memory_space<vmem>>, vector<4x512x768xf32>,
    return
  }
  func.func @transform_0(%arg0: i32) -> (i32, i32) {
    %c0_i32 = arith.constant 0 : i32
    %c0_i32_0 = arith.constant 0 : i32
    return %arg0, %c0_i32 : i32, i32
  }
  func.func @transform_1(%arg0: i32) -> (i32, i32, i32) {
    %c0_i32 = arith.constant 0 : i32
    %c0_i32_0 = arith.constant 0 : i32
    %c0_i32_1 = arith.constant 0 : i32
    return %c0_i32, %arg0, %c0_i32_0 : i32, i32, i32
  }
  func.func @transform_2(%arg0: i32) -> (i32, i32, i32) {
    %c0_i32 = arith.constant 0 : i32
    %c0_i32_0 = arith.constant 0 : i32
    %c0_i32_1 = arith.constant 0 : i32
    return %c0_i32, %arg0, %c0_i32_0 : i32, i32, i32
  }
}

</mosaic_0001>

<sc_bundles>
// kernel: _run.4.cloned.1.call-start
scs
__scs_entry_jumppad:
0x0: {  	(pc) =	sbr.rel $0x88, $3  }
0x1: {  	(tag) =	ssettag $0x0;
	lr =	simm.s32 $0x1  }
0x2: {  	[smem:$0x3F9E] =	sst lr;
	_ =	strace $0xD0000000  }
0x3: {  	_ = 	snop  }
0x4: {  	_ = 	snop  }
0x5: {  	_ = 	snop  }
0x6: {  	_ = 	snop  }
0x7: {  	_ = 	snop  }
__scs_overlays_trampoline_lowered:
0x8: {  	[smem:$0x3FAD] =	sst s0  }
0x9: {  	[smem:$0x3FAE] =	sst s1  }
0xa: {  	[smem:$0x3FAF] =	sst s2  }
0xb: {  	[smem:$0x3FB0] =	sst s3  }
0xc: {  	[smem:$0x3FB1] =	sst s4  }
0xd: {  	[smem:$0x3FB2] =	sst s5  }
0xe: {  	[smem:$0x3FB3] =	sst s6  }
0xf: {  	[smem:$0x3FB4] =	sst s7  }
0x10: {  	[smem:$0x3FB5] =	sst s8  }
0x11: {  	[smem:$0x3FB6] =	sst s9;
	s0 =	simm.s32 @!p0 $0x0  }
0x12: {  	s1 =	sld [smem:$0x3F9C];
	s0 =	simm.s32 @p0 $0x1  }
0x13: {  	[smem:$0x3FB7] =	sst s0;
	s0 =	simm.s32 @!p1 $0x0  }
0x14: {  	s2 =	sld [smem:$0x3F9B];
	s0 =	simm.s32 @p1 $0x1  }
0x15: {  	[smem:$0x3FB8] =	sst s0;
	s0 =	simm.s32 @!p2 $0x0  }
0x16: {  	s3 =	sld [smem:$0x3FDB];
	s0 =	simm.s32 @p2 $0x1  }
0x17: {  	s4 =	simm.s32 $0x1BF5;
	[smem:$0x3FBA] =	sst s0  }
0x18: {  	s0 =	sld [smem:$0x3F9D];
	_ =	swait.ge [sflag:s4], $0x0  }
0x19: {  	s7 =	sld [smem:$0x3F9E]  }
0x1a: {  	s8 =	sadd.s32 $0xFFFFE003, lr  }
0x1b: {  	s9 =	sadd.s32 $0xFFFFFEF7, lr;
	s5 =	simm.s32 $0xFFFFFFFF;
	p2 =	slt.u32 s8, $0xFFFFF086  }
0x1c: {  	p1 =	slt.u32 s9, $0xF7A;
	s5 =	simm.s32 @!p2 $0x0  }
0x1d: {  	s5 =	simm.s32 @p1 $0x1;
	p0 =	seq.s32 s7, s2  }
0x1e: {  	s7 =	smul.u32 @!p0 $0xF7A, s2;
	p2 =	seq.s32 @!p0 s5, $0x0  }
0x1f: {  	s9 =	smul.u32 $0xF7A, s1;
	s8 =	simm.s32 @!p0 $0x1BF5;
	p2 =	por !p2, p0  }
0x20: {  	[sflag:s8] =	ssyncset.s32 @!p0 $0xFFFFF086;
	s6 =	sadd.s32 @!p0 s3, s7;
	s7 =	simm.s32 @!p0 $0x108  }
0x21: {  	s3 =	sadd.s32 s3, s9;
	s6 =	sadd.s32 @!p0 $0x88, s6;
	s7 =	simm.s32 @p2 $0x1082  }
0x22: {  	[simem:s7], [sflag:s8] =	dma.local @!p0 [hbm:s6], $0xF7A  }
0x23: {  	s9 =	sor.u32 $0xD0000000, s2;
	s6 =	simm.s32 $0x108;
	_ =	swait.ge @!p0 [sflag:s8], $0x0  }
0x24: {  	s3 =	sadd.s32 $0x88, s3;
	s6 =	simm.s32 @!p1 $0x1082;
	[sflag:s4] =	ssyncset.s32 $0xFFFFF086  }
0x25: {  	[simem:s6], [sflag:s4] =	dma.local [hbm:s3], $0xF7A  }
0x26: {  	[smem:$0x3F9E] =	sst s1;
	(tag) =	ssettag s2;
	_ =	strace s9  }
0x27: {  	s1 =	sld [smem:$0x3FAE]  }
0x28: {  	s2 =	sld [smem:$0x3FAF]  }
0x29: {  	s4 =	sld [smem:$0x3FB1]  }
0x2a: {  	p0 =	seq.s32 s5, $0x0;
	s5 =	sld [smem:$0x3FB2]  }
0x2b: {  	s6 =	sld [smem:$0x3FB3]  }
0x2c: {  	s7 =	sld [smem:$0x3FB4]  }
0x2d: {  	s3 =	simm.s32 $0x108;
	s8 =	sld [smem:$0x3FB5]  }
0x2e: {  	s3 =	simm.s32 @!p0 $0x1082;
	s9 =	sld [smem:$0x3FB6]  }
0x2f: {  	lr =	sadd.s32 s0, s3;
	s0 =	sld [smem:$0x3FAD]  }
0x30: {  	s3 =	sld [smem:$0x3FB0]  }
0x31: {  	[smem:$0x3FB9] =	sst s10  }
0x32: {  	s10 =	sld [smem:$0x3FB7];
	_ =	sdelay $0x3  }
0x33: {  	p0 =	seq.s32 s10, $0x1;
	s10 =	sld [smem:$0x3FB9];
	_ =	sdelay $0x3  }
0x34: {  	[smem:$0x3FB9] =	sst s10  }
0x35: {  	s10 =	sld [smem:$0x3FB8];
	_ =	sdelay $0x3  }
0x36: {  	p1 =	seq.s32 s10, $0x1;
	s10 =	sld [smem:$0x3FB9];
	_ =	sdelay $0x3  }
0x37: {  	[smem:$0x3FB9] =	sst s10  }
0x38: {  	s10 =	sld [smem:$0x3FBA]  }
0x39: {  	_ = 	snop;
	(pc) =	sbr.ind lr, $3  }
0x3a: {  	_ = 	snop  }
0x3b: {  	_ = 	snop  }
0x3c: {  	p2 =	seq.s32 s10, $0x1;
	s10 =	sld [smem:$0x3FB9]  }
0x3d: {  	_ =	shalt  }
0x3e: {  	_ =	shalt  }
0x3f: {  	_ =	shalt  }
0x40: {  	_ =	shalt  }
0x41: {  	_ =	shalt  }
0x42: {  	_ =	shalt  }
0x43: {  	_ =	shalt  }
0x44: {  	_ =	shalt  }
0x45: {  	_ =	shalt  }
0x46: {  	_ =	shalt  }
0x47: {  	_ =	shalt  }
0x48: {  	_ =	shalt  }
0x49: {  	_ =	shalt  }
0x4a: {  	_ =	shalt  }
0x4b: {  	_ =	shalt  }
0x4c: {  	_ =	shalt  }
0x4d: {  	_ =	shalt  }
0x4e: {  	_ =	shalt  }
0x4f: {  	_ =	shalt  }
0x50: {  	_ =	shalt  }
0x51: {  	_ =	shalt  }
0x52: {  	_ =	shalt  }
0x53: {  	_ =	shalt  }
0x54: {  	_ =	shalt  }
0x55: {  	_ =	shalt  }
0x56: {  	_ =	shalt  }
0x57: {  	_ =	shalt  }
0x58: {  	_ =	shalt  }
0x59: {  	_ =	shalt  }
0x5a: {  	_ =	shalt  }
0x5b: {  	_ =	shalt  }
0x5c: {  	_ =	shalt  }
0x5d: {  	_ =	shalt  }
0x5e: {  	_ =	shalt  }
0x5f: {  	_ =	shalt  }
0x60: {  	_ =	shalt  }
0x61: {  	_ =	shalt  }
0x62: {  	_ =	shalt  }
0x63: {  	_ =	shalt  }
0x64: {  	_ =	shalt  }
0x65: {  	_ =	shalt  }
0x66: {  	_ =	shalt  }
0x67: {  	_ =	shalt  }
0x68: {  	_ =	shalt  }
0x69: {  	_ =	shalt  }
0x6a: {  	_ =	shalt  }
0x6b: {  	_ =	shalt  }
0x6c: {  	_ =	shalt  }
0x6d: {  	_ =	shalt  }
0x6e: {  	_ =	shalt  }
0x6f: {  	_ =	shalt  }
0x70: {  	_ =	shalt  }
0x71: {  	_ =	shalt  }
0x72: {  	_ =	shalt  }
0x73: {  	_ =	shalt  }
0x74: {  	_ =	shalt  }
0x75: {  	_ =	shalt  }
0x76: {  	_ =	shalt  }
0x77: {  	_ =	shalt  }
0x78: {  	_ =	shalt  }
0x79: {  	_ =	shalt  }
0x7a: {  	_ =	shalt  }
0x7b: {  	_ =	shalt  }
0x7c: {  	_ =	shalt  }
0x7d: {  	_ =	shalt  }
0x7e: {  	_ =	shalt  }
0x7f: {  	_ =	shalt  }
0x80: {  	_ =	shalt  }
0x81: {  	_ =	shalt  }
0x82: {  	_ =	shalt  }
0x83: {  	_ =	shalt  }
0x84: {  	_ =	shalt  }
0x85: {  	_ =	shalt  }
0x86: {  	_ =	shalt  }
0x87: {  	_ =	shalt  }
.Lfunc_end0:
.L_simem_size_0:
called_computation_lowered:
.L_overlay_start_0:
0x88: {  	s2 =	sld [smem:$0x3FD9]  }
0x89: {  	s3 =	sld [smem:$0x3FFE];
	_ =	sdelay $0x1  }
0x8a: {  	s1 =	srdreg.scid  }
0x8b: {  	s0 =	sand.u32 $0x1, s1  }
0x8c: {  	s17 =	sshll.u32 s0, $0xA;
	s2 =	sadd.s32 s3, s2  }
0x8d: {  	s2 =	sadd.s32 s2, s17  }
0x8e: {  	[smem:$0x3FC5] =	sst s2  }
0x8f: {  	_ = 	snop  }
0x90: {  	s2 =	sld [smem:$0x3FC8]  }
0x91: {  	s18 =	sld [smem:$0x3FC7];
	(tm) =	ssettm $0x1  }
0x92: {  	s4 =	sld [smem:$0x3FFB];
	_ =	sdelay $0x3  }
0x93: {  	_ =	strace s4  }
0x94: {  	s4 =	sld [smem:$0x3FFC];
	_ =	sdelay $0x3  }
0x95: {  	_ =	strace s4  }
0x96: {  	s4 =	sld [smem:$0x3FFD];
	_ =	sdelay $0x3  }
0x97: {  	_ =	strace s4  }
0x98: {  	_ =	strace $0x8FFFFFFF  }
0x99: {  	s19 =	sld [smem:$0x3FDB];
	_ =	sdelay $0x1  }
0x9a: {  	s5 =	simm.s32 $_scs_section_size  }
0x9b: {  	s6 =	simm.s32 $_size__tile_overlayer_lowered;
	s7 =	simm.s32 $_tile_overlayer_lowered  }
0x9c: {  	s22 =	simm.s32 $0x1BFF;
	s21 =	sshll.u32 s7, $0x1;
	s4 =	sadd.s32 s5, s19  }
0x9d: {  	s8 =	simm.s32 $0x0;
	s20 =	sshll.u32 s6, $0x1;
	s6 =	sadd.s32 s21, s4  }
0x9e: {  	[timem:s8], [sflag:s22] =	dma.local [hbm:s6], s20  }
0x9f: {  	_ =	swait.ge [sflag:s22], s20  }
0xa0: {  	s5 =	ssub.s32 $0x0, s20;
	[sflag:s22] =	ssyncset.done $0x0  }
0xa1: {  	[sflag:s22] =	ssyncadd.s32 s5;
	_ =	sdelay $0x1  }
0xa2: {  	s23 =	simm.s32 $0x1B8B  }
0xa3: {  	_ =	swait.ge [sflag:s23], $0x1  }
0xa4: {  	[sflag:s23] =	ssyncset.done $0x0  }
0xa5: {  	s25 =	simm.s32 $0x1B8E;
	s24 =	sld [smem:$0x3FFE];
	[sflag:s23] =	ssyncadd.s32 $0xFFFFFFFF  }
0xa6: {  	s26 =	simm.s32 $execute0_lowered;
	[smem:$0x3FD2] =	sst s25  }
0xa7: {  	s6 =	sshll.u32 s26, $0x1;
	_ =	strace $0x80000046;
	[dreg:$0x1] =	wrdreg $0xFFFFFFFF  }
0xa8: {  	s28 =	simm.s32 $_size_execute0_lowered;
	s4 =	sadd.s32 s4, s6;
	[dreg:$0x0] =	wrdreg $0x0  }
0xa9: {  	s6 =	sshll.u32 s28, $0x1;
	[dreg:$0x2] =	wrdreg s4  }
0xaa: {  	[dreg:$0x3] =	wrdreg s6  }
0xab: {  	[dreg:$0x4] =	wrdreg $0xC0  }
0xac: {  	_ =	task [dreg:s8], $0x5FFFF  }
0xad: {  	[dreg:$0x1] =	wrdreg $0xFFFFFFFF  }
0xae: {  	[dreg:$0x0] =	wrdreg $0x60  }
0xaf: {  	[dreg:$0x2] =	wrdreg s2  }
0xb0: {  	[dreg:$0x3] =	wrdreg s18  }
0xb1: {  	[dreg:$0x4] =	wrdreg s24  }
0xb2: {  	[dreg:$0x5] =	wrdreg $0x9  }
0xb3: {  	_ =	task.clear_ibuf [dreg:s8], $0x6FFFF;
	_ =	strace $0x90000046  }
0xb4: {  	s29 =	simm.s32 $0x9;
	_ =	strace $0x80000048  }
0xb5: {  	_ =	swait.ge [sflag:s29], $0x1  }
0xb6: {  	[sflag:s29] =	ssyncadd.s32 $0xFFFFFFFF  }
0xb7: {  	_ =	strace $0x90000048  }
0xb8: {  	_ =	sfence  }
0xb9: {  	s30 =	sld [smem:$0x0];
	_ =	sdelay $0x2  }
0xba: {  	s31 =	sshll.u32 s1, $0xD;
	s1 =	sshrl.u32 s1, $0x2  }
0xbb: {  	s3 =	sand.u32 $0x4000, s31;
	s1 =	sadd.s32 s1, s30  }
0xbc: {  	s0 =	sor.u32 s3, s0;
	s1 =	sshll.u32 s1, $0x11  }
0xbd: {  	s0 =	sor.u32 s1, s0  }
0xbe: {  	s0 =	sadd.s32 $0x8F2B, s0  }
0xbf: {  	[sflag:s0] =	ssyncadd.remote.s32 $0x1  }
0xc0: {  	_ =	sfence.sel $0xFFFF  }
0xc1: {  	[dreg:$0x0] =	wrdreg $0xFFFFFFFF;
	(pc) =	sbr.abs _section_cstart, $3  }
0xc2: {  	[dreg:$0x1] =	wrdreg $0xFFFFFFFF  }
0xc3: {  	_ =	task.clear_ibuf [dreg:s8], $0x2FFFF;
	_ =	strace $0x9FFFFFFF  }
0xc4: {  	(tm) =	ssettm $0x7FFFFFFF  }
0xc5: {  	_ =	shalt  }
tec
execute0_lowered:
.L_overlay_start_1:
0x0: {  	(tag) =	ssettag $0x1  }
0x1: {  	s7 =	rddreg [dreg:$0x0]  }
0x2: {  	s0 =	srdreg.scid;
	s3 =	rddreg [dreg:$0x1]  }
0x3: {  	s1 =	stileid.u32;
	s5 =	rddreg [dreg:$0x2]  }
0x4: {  	s4 =	simm.s32 $0x0;
	s26 =	simm.s32 $0x100;
	s11 =	simm.s32 $0x1  }
0x5: {  	s13 =	simm.s32 $0x2;
	s16 =	simm.s32 $0x1180;
	s17 =	simm.s32 $0x1980  }
0x6: {  	s18 =	simm.s32 $0x2180;
	s19 =	simm.s32 $0x2980;
	s28 =	simm.s32 $0x6980  }
0x7: {  	s29 =	simm.s32 $0x7180;
	s30 =	simm.s32 $0x7980;
	s31 =	simm.s32 $0x8180  }
0x8: {  	s12 =	simm.s32 $0xA180;
	s10 =	simm.s32 $0xA980;
	s9 =	simm.s32 $0xB180  }
0x9: {  	s0 =	sand.u32 $0x1, s0;
	s1 =	sshll.u32 s1, $0x6;
	[smem:$0x7FF] =	sst s4  }
0xa: {  	s5 =	sadd.s32 $0x400, s5;
	s2 =	sshll.u32 s0, $0x5;
	_ =	strace $0x80000047  }
0xb: {  	s0 =	ssub.s32 $0x2, s0;
	[dreg:$0x8] =	wrdreg s26;
	s1 =	sor.u32 s2, s1  }
0xc: {  	s26 =	simm.s32 $0x6180;
	s23 =	sshrl.u32 s0, $0x1;
	s2 =	smul.u32 $0x300, s1  }
0xd: {  	s6 =	smul.u32 $0x1800, s1;
	s1 =	sadd.s32 s7, s1;
	s0 =	ssub.s32 s0, s23  }
0xe: {  	s7 =	sadd.s32 $0x200, s3;
	s23 =	simm.s32 $0x4980;
	[dreg:$0x4] =	wrdreg s1  }
0xf: {  	s8 =	smax.u32 s0, $0x1;
	s20 =	sadd.s32 s5, s2;
	s21 =	sshrl.u32 s6, $0x3  }
0x10: {  	s6 =	sadd.s32 $0x100, s3;
	[dreg:$0x9] =	wrdreg s20;
	s22 =	sadd.s32 $0x1800, s20  }
0x11: {  	s2 =	sadd.s32 s5, s21;
	s5 =	simm.s32 $0x180;
	s20 =	simm.s32 $0x3180  }
0x12: {  	v3 =	vlaneseq.u32;
	s21 =	simm.s32 $0x3980;
	[dreg:$0x5] =	wrdreg s22;
	s24 =	sadd.s32 $0x3000, s2  }
0x13: {  	v0 =	vimm.s32 $0x0;
	vm0 =	vmmov $0xffff;
	v2 =	vshrl.u32 v3, $0x3;
	s25 =	sadd.s32 $0x4800, s2;
	s22 =	simm.s32 $0x4180;
	[dreg:$0x6] =	wrdreg s24  }
0x14: {  	v1 =	vand.u32 $0x7, v3;
	v3 =	vor.u32 $0x8, v3;
	v2 =	vmul.u32 $0x8, v2;
	[dreg:$0x7] =	wrdreg s25;
	s24 =	simm.s32 $0x5180;
	s25 =	simm.s32 $0x5980  }
.LBB2_1:
0x15: {  	s14 =	rddreg [dreg:$0x8]  }
0x16: {  	s15 =	rddreg [dreg:$0x0];
	s0 =	simm.s32 $0x3  }
0x17: {  	[tilespmem:s14], [sflag:$0x3] =	stream.linear.gather [hbm4b:s15+s4], $0x10, $0x38;
	[tilespmem:$0x18180] =	vst v63  }
0x18: {  	_ =	swait.ge [sflag:s0], $0x10  }
0x19: {  	[sflag:s0] =	ssyncset.done $0x0  }
0x1a: {  	s15 =	rddreg [dreg:$0x4];
	[sflag:s0] =	ssyncadd.s32 $0xFFFFFFF0  }
0x1b: {  	[tilespmem:s4], [sflag:$0x3] =	stream.linear.gather [hbm4b:s15+s4], $0x100, $0x38;
	[tilespmem:$0x18180] =	vst v63  }
0x1c: {  	_ =	swait.ge [sflag:s0], $0x100  }
0x1d: {  	[sflag:s0] =	ssyncset.done $0x0  }
0x1e: {  	[sflag:s0] =	ssyncadd.s32 $0xFFFFFF00  }
0x1f: {  	v4 =	vld [tilespmem:$0x100];
	_ =	sdelay $0x1  }
0x20: {  	v5 =	vld [tilespmem:$0x0]  }
0x21: {  	v6 =	vld [tilespmem:$0x10]  }
0x22: {  	v7 =	vld [tilespmem:$0x20]  }
0x23: {  	v8 =	vld [tilespmem:$0x30];
	v4 =	vperm.xlane v4, v0  }
0x24: {  	v9 =	vld [tilespmem:$0x40]  }
0x25: {  	v10 =	vld [tilespmem:$0x50];
	v5 =	vsub.s32 v5, v4  }
0x26: {  	v11 =	vld [tilespmem:$0x60];
	v6 =	vsub.s32 v6, v4;
	[tilespmem:$0x0] =	vst v5  }
0x27: {  	v42 =	vld [tilespmem:$0x70];
	v41 =	vsub.s32 v7, v4;
	[tilespmem:$0x10] =	vst v6  }
0x28: {  	v44 =	vld [tilespmem:$0x80];
	v43 =	vsub.s32 v8, v4;
	[tilespmem:$0x20] =	vst v41  }
0x29: {  	v46 =	vld [tilespmem:$0x90];
	v45 =	vsub.s32 v9, v4;
	[tilespmem:$0x30] =	vst v43  }
0x2a: {  	v48 =	vld [tilespmem:$0xA0];
	v47 =	vsub.s32 v10, v4;
	[tilespmem:$0x40] =	vst v45  }
0x2b: {  	v50 =	vld [tilespmem:$0xB0];
	v49 =	vsub.s32 v11, v4;
	[tilespmem:$0x50] =	vst v47;
	v12 =	vshrl.u32 v5, $0x3  }
0x2c: {  	v52 =	vld [tilespmem:$0xC0];
	v51 =	vsub.s32 v42, v4;
	[tilespmem:$0x60] =	vst v49;
	v12 =	vmul.u32 $0x30, v12  }
0x2d: {  	v54 =	vld [tilespmem:$0xD0];
	v53 =	vsub.s32 v44, v4;
	[tilespmem:$0x70] =	vst v51;
	v5 =	vand.u32 $0x7, v5  }
0x2e: {  	v56 =	vld [tilespmem:$0xE0];
	v55 =	vsub.s32 v46, v4;
	[tilespmem:$0x80] =	vst v53;
	v5 =	vor.u32 v5, v12  }
0x2f: {  	v58 =	vld [tilespmem:$0xF0];
	v57 =	vsub.s32 v48, v4;
	[tilespmem:$0x90] =	vst v55;
	v12 =	vperm.xlane v5, v1  }
0x30: {  	v59 =	vsub.s32 v50, v4;
	[tilespmem:$0xA0] =	vst v57  }
0x31: {  	v60 =	vsub.s32 v52, v4;
	[tilespmem:$0xB0] =	vst v59;
	v61 =	vadd.s32 v2, v12  }
0x32: {  	v62 =	vsub.s32 v54, v4;
	[tilespmem:$0xC0] =	vst v60  }
0x33: {  	v63 =	vsub.s32 v56, v4;
	[tilespmem:$0xD0] =	vst v62  }
0x34: {  	v4 =	vsub.s32 v58, v4;
	[tilespmem:$0xE0] =	vst v63  }
0x35: {  	[tilespmem:$0xF0] =	vst v4;
	v4 =	vperm.xlane v5, v3  }
0x36: {  	[tilespmem:s5], [sflag:$0x1] =	stream.indirect_vreg.gather [hbm4b:s3+s4], $0x80, v61, vm0, $0xb8;
	[tilespmem:$0x18180] =	vst v63  }
0x37: {  	s15 =	simm.s32 $0x980;
	v4 =	vadd.s32 v2, v4  }
0x38: {  	[tilespmem:s15], [sflag:$0x1] =	stream.indirect_vreg.gather [hbm4b:s6+s4], $0x80, v61, vm0, $0xb8;
	[tilespmem:$0x18180] =	vst v63  }
0x39: {  	_ = 	snop  }
0x3a: {  	[tilespmem:s16], [sflag:$0x1] =	stream.indirect_vreg.gather [hbm4b:s7+s4], $0x80, v61, vm0, $0xb8;
	[tilespmem:$0x18180] =	vst v63  }
0x3b: {  	_ = 	snop  }
0x3c: {  	[tilespmem:s17], [sflag:$0x1] =	stream.indirect_vreg.gather [hbm4b:s3+s4], $0x80, v4, vm0, $0xb8;
	[tilespmem:$0x18180] =	vst v63  }
0x3d: {  	_ = 	snop  }
0x3e: {  	[tilespmem:s18], [sflag:$0x1] =	stream.indirect_vreg.gather [hbm4b:s6+s4], $0x80, v4, vm0, $0xb8;
	[tilespmem:$0x18180] =	vst v63  }
0x3f: {  	_ = 	snop  }
0x40: {  	[tilespmem:s19], [sflag:$0x1] =	stream.indirect_vreg.gather [hbm4b:s7+s4], $0x80, v4, vm0, $0xb8;
	[tilespmem:$0x18180] =	vst v63  }
0x41: {  	v4 =	vld [tilespmem:$0x10];
	_ =	sdelay $0x4  }
0x42: {  	v5 =	vshrl.u32 v4, $0x3  }
0x43: {  	v5 =	vmul.u32 $0x30, v5  }
0x44: {  	v4 =	vand.u32 $0x7, v4  }
0x45: {  	v4 =	vor.u32 v4, v5  }
0x46: {  	v5 =	vperm.xlane v4, v1;
	_ =	sdelay $0x1  }
0x47: {  	v5 =	vadd.s32 v2, v5;
	_ =	sdelay $0x3  }
0x48: {  	v4 =	vperm.xlane v4, v3  }
0x49: {  	[tilespmem:s20], [sflag:$0x1] =	stream.indirect_vreg.gather [hbm4b:s3+s4], $0x80, v5, vm0, $0xb8;
	[tilespmem:$0x18180] =	vst v63  }
0x4a: {  	v4 =	vadd.s32 v2, v4  }
0x4b: {  	[tilespmem:s21], [sflag:$0x1] =	stream.indirect_vreg.gather [hbm4b:s6+s4], $0x80, v5, vm0, $0xb8;
	[tilespmem:$0x18180] =	vst v63  }
0x4c: {  	_ = 	snop  }
0x4d: {  	[tilespmem:s22], [sflag:$0x1] =	stream.indirect_vreg.gather [hbm4b:s7+s4], $0x80, v5, vm0, $0xb8;
	[tilespmem:$0x18180] =	vst v63  }
0x4e: {  	_ = 	snop  }
0x4f: {  	[tilespmem:s23], [sflag:$0x1] =	stream.indirect_vreg.gather [hbm4b:s3+s4], $0x80, v4, vm0, $0xb8;
	[tilespmem:$0x18180] =	vst v63  }
0x50: {  	_ = 	snop  }
0x51: {  	[tilespmem:s24], [sflag:$0x1] =	stream.indirect_vreg.gather [hbm4b:s6+s4], $0x80, v4, vm0, $0xb8;
	[tilespmem:$0x18180] =	vst v63  }
0x52: {  	_ = 	snop  }
0x53: {  	[tilespmem:s25], [sflag:$0x1] =	stream.indirect_vreg.gather [hbm4b:s7+s4], $0x80, v4, vm0, $0xb8;
	[tilespmem:$0x18180] =	vst v63  }
0x54: {  	v4 =	vld [tilespmem:$0x20];
	_ =	sdelay $0x4  }
0x55: {  	v5 =	vshrl.u32 v4, $0x3  }
0x56: {  	v5 =	vmul.u32 $0x30, v5  }
0x57: {  	v4 =	vand.u32 $0x7, v4  }
0x58: {  	v4 =	vor.u32 v4, v5  }
0x59: {  	v5 =	vperm.xlane v4, v1;
	_ =	sdelay $0x1  }
0x5a: {  	v5 =	vadd.s32 v2, v5;
	_ =	sdelay $0x3  }
0x5b: {  	v4 =	vperm.xlane v4, v3  }
0x5c: {  	[tilespmem:s26], [sflag:$0x1] =	stream.indirect_vreg.gather [hbm4b:s3+s4], $0x80, v5, vm0, $0xb8;
	[tilespmem:$0x18180] =	vst v63  }
0x5d: {  	v4 =	vadd.s32 v2, v4  }
0x5e: {  	[tilespmem:s28], [sflag:$0x1] =	stream.indirect_vreg.gather [hbm4b:s6+s4], $0x80, v5, vm0, $0xb8;
	[tilespmem:$0x18180] =	vst v63  }
0x5f: {  	_ = 	snop  }
0x60: {  	[tilespmem:s29], [sflag:$0x1] =	stream.indirect_vreg.gather [hbm4b:s7+s4], $0x80, v5, vm0, $0xb8;
	[tilespmem:$0x18180] =	vst v63  }
0x61: {  	_ = 	snop  }
0x62: {  	[tilespmem:s30], [sflag:$0x1] =	stream.indirect_vreg.gather [hbm4b:s3+s4], $0x80, v4, vm0, $0xb8;
	[tilespmem:$0x18180] =	vst v63  }
0x63: {  	_ = 	snop  }
0x64: {  	[tilespmem:s31], [sflag:$0x1] =	stream.indirect_vreg.gather [hbm4b:s6+s4], $0x80, v4, vm0, $0xb8;
	[tilespmem:$0x18180] =	vst v63  }
0x65: {  	s2 =	simm.s32 $0x8980  }
0x66: {  	[tilespmem:s2], [sflag:$0x1] =	stream.indirect_vreg.gather [hbm4b:s7+s4], $0x80, v4, vm0, $0xb8;
	[tilespmem:$0x18180] =	vst v63  }
0x67: {  	v4 =	vld [tilespmem:$0x30];
	_ =	sdelay $0x4  }
0x68: {  	v5 =	vshrl.u32 v4, $0x3  }
0x69: {  	v5 =	vmul.u32 $0x30, v5  }
0x6a: {  	v4 =	vand.u32 $0x7, v4  }
0x6b: {  	v4 =	vor.u32 v4, v5  }
0x6c: {  	v5 =	vperm.xlane v4, v1;
	_ =	sdelay $0x1  }
0x6d: {  	v5 =	vadd.s32 v2, v5;
	_ =	sdelay $0x3  }
0x6e: {  	s1 =	simm.s32 $0x9180;
	v4 =	vperm.xlane v4, v3  }
0x6f: {  	[tilespmem:s1], [sflag:$0x1] =	stream.indirect_vreg.gather [hbm4b:s3+s4], $0x80, v5, vm0, $0xb8;
	[tilespmem:$0x18180] =	vst v63  }
0x70: {  	v4 =	vadd.s32 v2, v4;
	s1 =	simm.s32 $0x9980  }
0x71: {  	[tilespmem:s1], [sflag:$0x1] =	stream.indirect_vreg.gather [hbm4b:s6+s4], $0x80, v5, vm0, $0xb8;
	[tilespmem:$0x18180] =	vst v63  }
0x72: {  	_ = 	snop  }
0x73: {  	[tilespmem:s12], [sflag:$0x1] =	stream.indirect_vreg.gather [hbm4b:s7+s4], $0x80, v5, vm0, $0xb8;
	[tilespmem:$0x18180] =	vst v63  }
0x74: {  	_ = 	snop  }
0x75: {  	[tilespmem:s10], [sflag:$0x1] =	stream.indirect_vreg.gather [hbm4b:s3+s4], $0x80, v4, vm0, $0xb8;
	[tilespmem:$0x18180] =	vst v63  }
0x76: {  	_ = 	snop  }
0x77: {  	[tilespmem:s9], [sflag:$0x1] =	stream.indirect_vreg.gather [hbm4b:s6+s4], $0x80, v4, vm0, $0xb8;
	[tilespmem:$0x18180] =	vst v63  }
0x78: {  	s14 =	simm.s32 $0xB980  }
0x79: {  	[tilespmem:s14], [sflag:$0x1] =	stream.indirect_vreg.gather [hbm4b:s7+s4], $0x80, v4, vm0, $0xb8;
	[tilespmem:$0x18180] =	vst v63  }
0x7a: {  	_ =	swait.ge [sflag:s11], $0xC000  }
0x7b: {  	[sflag:s11] =	ssyncset.done $0x0  }
0x7c: {  	s0 =	rddreg [dreg:$0x9];
	[sflag:s11] =	ssyncadd.s32 $0xFFFF4000  }
0x7d: {  	[hbm4b:s0+s4] =	stream.linear.scatter [tilespmem:s5], [sflag:$0x2], $0xC000, $0x38;
	[tilespmem:$0x18180] =	vst v63  }
0x7e: {  	v4 =	vld [tilespmem:$0x40];
	_ =	sdelay $0x4  }
0x7f: {  	v5 =	vshrl.u32 v4, $0x3  }
0x80: {  	v5 =	vmul.u32 $0x30, v5  }
0x81: {  	v4 =	vand.u32 $0x7, v4  }
0x82: {  	v4 =	vor.u32 v4, v5  }
0x83: {  	v5 =	vperm.xlane v4, v1;
	_ =	sdelay $0x1  }
0x84: {  	v5 =	vadd.s32 v2, v5;
	_ =	sdelay $0x3  }
0x85: {  	s0 =	simm.s32 $0xC180;
	v4 =	vperm.xlane v4, v3  }
0x86: {  	[tilespmem:s0], [sflag:$0x1] =	stream.indirect_vreg.gather [hbm4b:s3+s4], $0x80, v5, vm0, $0xb8;
	[tilespmem:$0x18180] =	vst v63  }
0x87: {  	s14 =	simm.s32 $0xC980;
	v4 =	vadd.s32 v2, v4  }
0x88: {  	[tilespmem:s14], [sflag:$0x1] =	stream.indirect_vreg.gather [hbm4b:s6+s4], $0x80, v5, vm0, $0xb8;
	[tilespmem:$0x18180] =	vst v63  }
0x89: {  	s14 =	simm.s32 $0xD180  }
0x8a: {  	[tilespmem:s14], [sflag:$0x1] =	stream.indirect_vreg.gather [hbm4b:s7+s4], $0x80, v5, vm0, $0xb8;
	[tilespmem:$0x18180] =	vst v63  }
0x8b: {  	s14 =	simm.s32 $0xD980  }
0x8c: {  	[tilespmem:s14], [sflag:$0x1] =	stream.indirect_vreg.gather [hbm4b:s3+s4], $0x80, v4, vm0, $0xb8;
	[tilespmem:$0x18180] =	vst v63  }
0x8d: {  	s14 =	simm.s32 $0xE180  }
0x8e: {  	[tilespmem:s14], [sflag:$0x1] =	stream.indirect_vreg.gather [hbm4b:s6+s4], $0x80, v4, vm0, $0xb8;
	[tilespmem:$0x18180] =	vst v63  }
0x8f: {  	s14 =	simm.s32 $0xE980  }
0x90: {  	[tilespmem:s14], [sflag:$0x1] =	stream.indirect_vreg.gather [hbm4b:s7+s4], $0x80, v4, vm0, $0xb8;
	[tilespmem:$0x18180] =	vst v63  }
0x91: {  	v4 =	vld [tilespmem:$0x50];
	_ =	sdelay $0x4  }
0x92: {  	v5 =	vshrl.u32 v4, $0x3  }
0x93: {  	v5 =	vmul.u32 $0x30, v5  }
0x94: {  	v4 =	vand.u32 $0x7, v4  }
0x95: {  	v4 =	vor.u32 v4, v5  }
0x96: {  	v5 =	vperm.xlane v4, v1;
	_ =	sdelay $0x1  }
0x97: {  	v5 =	vadd.s32 v2, v5;
	_ =	sdelay $0x3  }
0x98: {  	s14 =	simm.s32 $0xF180;
	v4 =	vperm.xlane v4, v3  }
0x99: {  	[tilespmem:s14], [sflag:$0x1] =	stream.indirect_vreg.gather [hbm4b:s3+s4], $0x80, v5, vm0, $0xb8;
	[tilespmem:$0x18180] =	vst v63  }
0x9a: {  	v4 =	vadd.s32 v2, v4;
	s14 =	simm.s32 $0xF980  }
0x9b: {  	[tilespmem:s14], [sflag:$0x1] =	stream.indirect_vreg.gather [hbm4b:s6+s4], $0x80, v5, vm0, $0xb8;
	[tilespmem:$0x18180] =	vst v63  }
0x9c: {  	s14 =	simm.s32 $0x10180  }
0x9d: {  	[tilespmem:s14], [sflag:$0x1] =	stream.indirect_vreg.gather [hbm4b:s7+s4], $0x80, v5, vm0, $0xb8;
	[tilespmem:$0x18180] =	vst v63  }
0x9e: {  	s14 =	simm.s32 $0x10980  }
0x9f: {  	[tilespmem:s14], [sflag:$0x1] =	stream.indirect_vreg.gather [hbm4b:s3+s4], $0x80, v4, vm0, $0xb8;
	[tilespmem:$0x18180] =	vst v63  }
0xa0: {  	s14 =	simm.s32 $0x11180  }
0xa1: {  	[tilespmem:s14], [sflag:$0x1] =	stream.indirect_vreg.gather [hbm4b:s6+s4], $0x80, v4, vm0, $0xb8;
	[tilespmem:$0x18180] =	vst v63  }
0xa2: {  	s14 =	simm.s32 $0x11980  }
0xa3: {  	[tilespmem:s14], [sflag:$0x1] =	stream.indirect_vreg.gather [hbm4b:s7+s4], $0x80, v4, vm0, $0xb8;
	[tilespmem:$0x18180] =	vst v63  }
0xa4: {  	v4 =	vld [tilespmem:$0x60];
	_ =	sdelay $0x4  }
0xa5: {  	v5 =	vshrl.u32 v4, $0x3  }
0xa6: {  	v5 =	vmul.u32 $0x30, v5  }
0xa7: {  	v4 =	vand.u32 $0x7, v4  }
0xa8: {  	v4 =	vor.u32 v4, v5  }
0xa9: {  	v5 =	vperm.xlane v4, v1;
	_ =	sdelay $0x1  }
0xaa: {  	v5 =	vadd.s32 v2, v5;
	_ =	sdelay $0x3  }
0xab: {  	s14 =	simm.s32 $0x12180;
	v4 =	vperm.xlane v4, v3  }
0xac: {  	[tilespmem:s14], [sflag:$0x1] =	stream.indirect_vreg.gather [hbm4b:s3+s4], $0x80, v5, vm0, $0xb8;
	[tilespmem:$0x18180] =	vst v63  }
0xad: {  	v4 =	vadd.s32 v2, v4;
	s14 =	simm.s32 $0x12980  }
0xae: {  	[tilespmem:s14], [sflag:$0x1] =	stream.indirect_vreg.gather [hbm4b:s6+s4], $0x80, v5, vm0, $0xb8;
	[tilespmem:$0x18180] =	vst v63  }
0xaf: {  	s14 =	simm.s32 $0x13180  }
0xb0: {  	[tilespmem:s14], [sflag:$0x1] =	stream.indirect_vreg.gather [hbm4b:s7+s4], $0x80, v5, vm0, $0xb8;
	[tilespmem:$0x18180] =	vst v63  }
0xb1: {  	s14 =	simm.s32 $0x13980  }
0xb2: {  	[tilespmem:s14], [sflag:$0x1] =	stream.indirect_vreg.gather [hbm4b:s3+s4], $0x80, v4, vm0, $0xb8;
	[tilespmem:$0x18180] =	vst v63  }
0xb3: {  	s14 =	simm.s32 $0x14180  }
0xb4: {  	[tilespmem:s14], [sflag:$0x1] =	stream.indirect_vreg.gather [hbm4b:s6+s4], $0x80, v4, vm0, $0xb8;
	[tilespmem:$0x18180] =	vst v63  }
0xb5: {  	s14 =	simm.s32 $0x14980  }
0xb6: {  	[tilespmem:s14], [sflag:$0x1] =	stream.indirect_vreg.gather [hbm4b:s7+s4], $0x80, v4, vm0, $0xb8;
	[tilespmem:$0x18180] =	vst v63  }
0xb7: {  	v4 =	vld [tilespmem:$0x70];
	_ =	sdelay $0x4  }
0xb8: {  	v5 =	vshrl.u32 v4, $0x3  }
0xb9: {  	v5 =	vmul.u32 $0x30, v5  }
0xba: {  	v4 =	vand.u32 $0x7, v4  }
0xbb: {  	v4 =	vor.u32 v4, v5  }
0xbc: {  	v5 =	vperm.xlane v4, v1;
	_ =	sdelay $0x1  }
0xbd: {  	v5 =	vadd.s32 v2, v5;
	_ =	sdelay $0x3  }
0xbe: {  	s14 =	simm.s32 $0x15180;
	v4 =	vperm.xlane v4, v3  }
0xbf: {  	[tilespmem:s14], [sflag:$0x1] =	stream.indirect_vreg.gather [hbm4b:s3+s4], $0x80, v5, vm0, $0xb8;
	[tilespmem:$0x18180] =	vst v63  }
0xc0: {  	v4 =	vadd.s32 v2, v4;
	s14 =	simm.s32 $0x15980  }
0xc1: {  	[tilespmem:s14], [sflag:$0x1] =	stream.indirect_vreg.gather [hbm4b:s6+s4], $0x80, v5, vm0, $0xb8;
	[tilespmem:$0x18180] =	vst v63  }
0xc2: {  	s14 =	simm.s32 $0x16180  }
0xc3: {  	[tilespmem:s14], [sflag:$0x1] =	stream.indirect_vreg.gather [hbm4b:s7+s4], $0x80, v5, vm0, $0xb8;
	[tilespmem:$0x18180] =	vst v63  }
0xc4: {  	s14 =	simm.s32 $0x16980  }
0xc5: {  	[tilespmem:s14], [sflag:$0x1] =	stream.indirect_vreg.gather [hbm4b:s3+s4], $0x80, v4, vm0, $0xb8;
	[tilespmem:$0x18180] =	vst v63  }
0xc6: {  	s14 =	simm.s32 $0x17180  }
0xc7: {  	[tilespmem:s14], [sflag:$0x1] =	stream.indirect_vreg.gather [hbm4b:s6+s4], $0x80, v4, vm0, $0xb8;
	[tilespmem:$0x18180] =	vst v63  }
0xc8: {  	s14 =	simm.s32 $0x17980  }
0xc9: {  	[tilespmem:s14], [sflag:$0x1] =	stream.indirect_vreg.gather [hbm4b:s7+s4], $0x80, v4, vm0, $0xb8;
	[tilespmem:$0x18180] =	vst v63  }
0xca: {  	_ =	swait.ge [sflag:s11], $0xC000  }
0xcb: {  	[sflag:s11] =	ssyncset.done $0x0  }
0xcc: {  	s14 =	rddreg [dreg:$0x5];
	[sflag:s11] =	ssyncadd.s32 $0xFFFF4000  }
0xcd: {  	[hbm4b:s14+s4] =	stream.linear.scatter [tilespmem:s0], [sflag:$0x2], $0xC000, $0x38;
	[tilespmem:$0x18180] =	vst v63  }
0xce: {  	_ =	swait.ge [sflag:s13], $0xC000  }
0xcf: {  	[sflag:s13] =	ssyncset.done $0x0  }
0xd0: {  	[sflag:s13] =	ssyncadd.s32 $0xFFFF4000  }
0xd1: {  	v4 =	vld [tilespmem:$0x80];
	_ =	sdelay $0x4  }
0xd2: {  	v5 =	vshrl.u32 v4, $0x3  }
0xd3: {  	v5 =	vmul.u32 $0x30, v5  }
0xd4: {  	v4 =	vand.u32 $0x7, v4  }
0xd5: {  	v4 =	vor.u32 v4, v5  }
0xd6: {  	v5 =	vperm.xlane v4, v1;
	_ =	sdelay $0x1  }
0xd7: {  	v5 =	vadd.s32 v2, v5;
	_ =	sdelay $0x3  }
0xd8: {  	v4 =	vperm.xlane v4, v3  }
0xd9: {  	[tilespmem:s5], [sflag:$0x1] =	stream.indirect_vreg.gather [hbm4b:s3+s4], $0x80, v5, vm0, $0xb8;
	[tilespmem:$0x18180] =	vst v63  }
0xda: {  	v4 =	vadd.s32 v2, v4  }
0xdb: {  	[tilespmem:s15], [sflag:$0x1] =	stream.indirect_vreg.gather [hbm4b:s6+s4], $0x80, v5, vm0, $0xb8;
	[tilespmem:$0x18180] =	vst v63  }
0xdc: {  	_ = 	snop  }
0xdd: {  	[tilespmem:s16], [sflag:$0x1] =	stream.indirect_vreg.gather [hbm4b:s7+s4], $0x80, v5, vm0, $0xb8;
	[tilespmem:$0x18180] =	vst v63  }
0xde: {  	_ = 	snop  }
0xdf: {  	[tilespmem:s17], [sflag:$0x1] =	stream.indirect_vreg.gather [hbm4b:s3+s4], $0x80, v4, vm0, $0xb8;
	[tilespmem:$0x18180] =	vst v63  }
0xe0: {  	_ = 	snop  }
0xe1: {  	[tilespmem:s18], [sflag:$0x1] =	stream.indirect_vreg.gather [hbm4b:s6+s4], $0x80, v4, vm0, $0xb8;
	[tilespmem:$0x18180] =	vst v63  }
0xe2: {  	_ = 	snop  }
0xe3: {  	[tilespmem:s19], [sflag:$0x1] =	stream.indirect_vreg.gather [hbm4b:s7+s4], $0x80, v4, vm0, $0xb8;
	[tilespmem:$0x18180] =	vst v63  }
0xe4: {  	v4 =	vld [tilespmem:$0x90];
	_ =	sdelay $0x4  }
0xe5: {  	v5 =	vshrl.u32 v4, $0x3  }
0xe6: {  	v5 =	vmul.u32 $0x30, v5  }
0xe7: {  	v4 =	vand.u32 $0x7, v4  }
0xe8: {  	v4 =	vor.u32 v4, v5  }
0xe9: {  	v5 =	vperm.xlane v4, v1;
	_ =	sdelay $0x1  }
0xea: {  	v5 =	vadd.s32 v2, v5;
	_ =	sdelay $0x3  }
0xeb: {  	v4 =	vperm.xlane v4, v3  }
0xec: {  	[tilespmem:s20], [sflag:$0x1] =	stream.indirect_vreg.gather [hbm4b:s3+s4], $0x80, v5, vm0, $0xb8;
	[tilespmem:$0x18180] =	vst v63  }
0xed: {  	v4 =	vadd.s32 v2, v4  }
0xee: {  	[tilespmem:s21], [sflag:$0x1] =	stream.indirect_vreg.gather [hbm4b:s6+s4], $0x80, v5, vm0, $0xb8;
	[tilespmem:$0x18180] =	vst v63  }
0xef: {  	_ = 	snop  }
0xf0: {  	[tilespmem:s22], [sflag:$0x1] =	stream.indirect_vreg.gather [hbm4b:s7+s4], $0x80, v5, vm0, $0xb8;
	[tilespmem:$0x18180] =	vst v63  }
0xf1: {  	_ = 	snop  }
0xf2: {  	[tilespmem:s23], [sflag:$0x1] =	stream.indirect_vreg.gather [hbm4b:s3+s4], $0x80, v4, vm0, $0xb8;
	[tilespmem:$0x18180] =	vst v63  }
0xf3: {  	_ = 	snop  }
0xf4: {  	[tilespmem:s24], [sflag:$0x1] =	stream.indirect_vreg.gather [hbm4b:s6+s4], $0x80, v4, vm0, $0xb8;
	[tilespmem:$0x18180] =	vst v63  }
0xf5: {  	_ = 	snop  }
0xf6: {  	[tilespmem:s25], [sflag:$0x1] =	stream.indirect_vreg.gather [hbm4b:s7+s4], $0x80, v4, vm0, $0xb8;
	[tilespmem:$0x18180] =	vst v63  }
0xf7: {  	v4 =	vld [tilespmem:$0xA0];
	_ =	sdelay $0x4  }
0xf8: {  	v5 =	vshrl.u32 v4, $0x3  }
0xf9: {  	v5 =	vmul.u32 $0x30, v5  }
0xfa: {  	v4 =	vand.u32 $0x7, v4  }
0xfb: {  	v4 =	vor.u32 v4, v5  }
0xfc: {  	v5 =	vperm.xlane v4, v1;
	_ =	sdelay $0x1  }
0xfd: {  	v5 =	vadd.s32 v2, v5;
	_ =	sdelay $0x3  }
0xfe: {  	v4 =	vperm.xlane v4, v3  }
0xff: {  	[tilespmem:s26], [sflag:$0x1] =	stream.indirect_vreg.gather [hbm4b:s3+s4], $0x80, v5, vm0, $0xb8;
	[tilespmem:$0x18180] =	vst v63  }
0x100: {  	v4 =	vadd.s32 v2, v4  }
0x101: {  	[tilespmem:s28], [sflag:$0x1] =	stream.indirect_vreg.gather [hbm4b:s6+s4], $0x80, v5, vm0, $0xb8;
	[tilespmem:$0x18180] =	vst v63  }
0x102: {  	_ = 	snop  }
0x103: {  	[tilespmem:s29], [sflag:$0x1] =	stream.indirect_vreg.gather [hbm4b:s7+s4], $0x80, v5, vm0, $0xb8;
	[tilespmem:$0x18180] =	vst v63  }
0x104: {  	_ = 	snop  }
0x105: {  	[tilespmem:s30], [sflag:$0x1] =	stream.indirect_vreg.gather [hbm4b:s3+s4], $0x80, v4, vm0, $0xb8;
	[tilespmem:$0x18180] =	vst v63  }
0x106: {  	_ = 	snop  }
0x107: {  	[tilespmem:s31], [sflag:$0x1] =	stream.indirect_vreg.gather [hbm4b:s6+s4], $0x80, v4, vm0, $0xb8;
	[tilespmem:$0x18180] =	vst v63  }
0x108: {  	_ = 	snop  }
0x109: {  	[tilespmem:s2], [sflag:$0x1] =	stream.indirect_vreg.gather [hbm4b:s7+s4], $0x80, v4, vm0, $0xb8;
	[tilespmem:$0x18180] =	vst v63  }
0x10a: {  	v4 =	vld [tilespmem:$0xB0];
	_ =	sdelay $0x4  }
0x10b: {  	v5 =	vshrl.u32 v4, $0x3  }
0x10c: {  	v5 =	vmul.u32 $0x30, v5  }
0x10d: {  	v4 =	vand.u32 $0x7, v4  }
0x10e: {  	v4 =	vor.u32 v4, v5  }
0x10f: {  	v5 =	vperm.xlane v4, v1;
	_ =	sdelay $0x1  }
0x110: {  	v5 =	vadd.s32 v2, v5;
	_ =	sdelay $0x3  }
0x111: {  	s14 =	simm.s32 $0x9180;
	v4 =	vperm.xlane v4, v3  }
0x112: {  	[tilespmem:s14], [sflag:$0x1] =	stream.indirect_vreg.gather [hbm4b:s3+s4], $0x80, v5, vm0, $0xb8;
	[tilespmem:$0x18180] =	vst v63  }
0x113: {  	v4 =	vadd.s32 v2, v4  }
0x114: {  	[tilespmem:s1], [sflag:$0x1] =	stream.indirect_vreg.gather [hbm4b:s6+s4], $0x80, v5, vm0, $0xb8;
	[tilespmem:$0x18180] =	vst v63  }
0x115: {  	_ = 	snop  }
0x116: {  	[tilespmem:s12], [sflag:$0x1] =	stream.indirect_vreg.gather [hbm4b:s7+s4], $0x80, v5, vm0, $0xb8;
	[tilespmem:$0x18180] =	vst v63  }
0x117: {  	_ = 	snop  }
0x118: {  	[tilespmem:s10], [sflag:$0x1] =	stream.indirect_vreg.gather [hbm4b:s3+s4], $0x80, v4, vm0, $0xb8;
	[tilespmem:$0x18180] =	vst v63  }
0x119: {  	_ = 	snop  }
0x11a: {  	[tilespmem:s9], [sflag:$0x1] =	stream.indirect_vreg.gather [hbm4b:s6+s4], $0x80, v4, vm0, $0xb8;
	[tilespmem:$0x18180] =	vst v63  }
0x11b: {  	s15 =	simm.s32 $0xB980  }
0x11c: {  	[tilespmem:s15], [sflag:$0x1] =	stream.indirect_vreg.gather [hbm4b:s7+s4], $0x80, v4, vm0, $0xb8;
	[tilespmem:$0x18180] =	vst v63  }
0x11d: {  	_ =	swait.ge [sflag:s11], $0xC000  }
0x11e: {  	[sflag:s11] =	ssyncset.done $0x0  }
0x11f: {  	s1 =	rddreg [dreg:$0x6];
	[sflag:s11] =	ssyncadd.s32 $0xFFFF4000  }
0x120: {  	[hbm4b:s1+s4] =	stream.linear.scatter [tilespmem:s5], [sflag:$0x2], $0xC000, $0x38;
	[tilespmem:$0x18180] =	vst v63  }
0x121: {  	_ =	swait.ge [sflag:s13], $0xC000  }
0x122: {  	[sflag:s13] =	ssyncset.done $0x0  }
0x123: {  	[sflag:s13] =	ssyncadd.s32 $0xFFFF4000  }
0x124: {  	v4 =	vld [tilespmem:$0xC0];
	_ =	sdelay $0x4  }
0x125: {  	v5 =	vshrl.u32 v4, $0x3  }
0x126: {  	v5 =	vmul.u32 $0x30, v5  }
0x127: {  	v4 =	vand.u32 $0x7, v4  }
0x128: {  	v4 =	vor.u32 v4, v5  }
0x129: {  	v5 =	vperm.xlane v4, v1;
	_ =	sdelay $0x1  }
0x12a: {  	v5 =	vadd.s32 v2, v5;
	_ =	sdelay $0x3  }
0x12b: {  	v4 =	vperm.xlane v4, v3  }
0x12c: {  	[tilespmem:s0], [sflag:$0x1] =	stream.indirect_vreg.gather [hbm4b:s3+s4], $0x80, v5, vm0, $0xb8;
	[tilespmem:$0x18180] =	vst v63  }
0x12d: {  	s2 =	simm.s32 $0xC980;
	v4 =	vadd.s32 v2, v4  }
0x12e: {  	[tilespmem:s2], [sflag:$0x1] =	stream.indirect_vreg.gather [hbm4b:s6+s4], $0x80, v5, vm0, $0xb8;
	[tilespmem:$0x18180] =	vst v63  }
0x12f: {  	s14 =	simm.s32 $0xD180  }
0x130: {  	[tilespmem:s14], [sflag:$0x1] =	stream.indirect_vreg.gather [hbm4b:s7+s4], $0x80, v5, vm0, $0xb8;
	[tilespmem:$0x18180] =	vst v63  }
0x131: {  	s15 =	simm.s32 $0xD980  }
0x132: {  	[tilespmem:s15], [sflag:$0x1] =	stream.indirect_vreg.gather [hbm4b:s3+s4], $0x80, v4, vm0, $0xb8;
	[tilespmem:$0x18180] =	vst v63  }
0x133: {  	s2 =	simm.s32 $0xE180  }
0x134: {  	[tilespmem:s2], [sflag:$0x1] =	stream.indirect_vreg.gather [hbm4b:s6+s4], $0x80, v4, vm0, $0xb8;
	[tilespmem:$0x18180] =	vst v63  }
0x135: {  	s14 =	simm.s32 $0xE980  }
0x136: {  	[tilespmem:s14], [sflag:$0x1] =	stream.indirect_vreg.gather [hbm4b:s7+s4], $0x80, v4, vm0, $0xb8;
	[tilespmem:$0x18180] =	vst v63  }
0x137: {  	v4 =	vld [tilespmem:$0xD0];
	_ =	sdelay $0x4  }
0x138: {  	v5 =	vshrl.u32 v4, $0x3  }
0x139: {  	v5 =	vmul.u32 $0x30, v5  }
0x13a: {  	v4 =	vand.u32 $0x7, v4  }
0x13b: {  	v4 =	vor.u32 v4, v5  }
0x13c: {  	v5 =	vperm.xlane v4, v1;
	_ =	sdelay $0x1  }
0x13d: {  	v5 =	vadd.s32 v2, v5;
	_ =	sdelay $0x3  }
0x13e: {  	s15 =	simm.s32 $0xF180;
	v4 =	vperm.xlane v4, v3  }
0x13f: {  	[tilespmem:s15], [sflag:$0x1] =	stream.indirect_vreg.gather [hbm4b:s3+s4], $0x80, v5, vm0, $0xb8;
	[tilespmem:$0x18180] =	vst v63  }
0x140: {  	s2 =	simm.s32 $0xF980;
	v4 =	vadd.s32 v2, v4  }
0x141: {  	[tilespmem:s2], [sflag:$0x1] =	stream.indirect_vreg.gather [hbm4b:s6+s4], $0x80, v5, vm0, $0xb8;
	[tilespmem:$0x18180] =	vst v63  }
0x142: {  	s14 =	simm.s32 $0x10180  }
0x143: {  	[tilespmem:s14], [sflag:$0x1] =	stream.indirect_vreg.gather [hbm4b:s7+s4], $0x80, v5, vm0, $0xb8;
	[tilespmem:$0x18180] =	vst v63  }
0x144: {  	s15 =	simm.s32 $0x10980  }
0x145: {  	[tilespmem:s15], [sflag:$0x1] =	stream.indirect_vreg.gather [hbm4b:s3+s4], $0x80, v4, vm0, $0xb8;
	[tilespmem:$0x18180] =	vst v63  }
0x146: {  	s2 =	simm.s32 $0x11180  }
0x147: {  	[tilespmem:s2], [sflag:$0x1] =	stream.indirect_vreg.gather [hbm4b:s6+s4], $0x80, v4, vm0, $0xb8;
	[tilespmem:$0x18180] =	vst v63  }
0x148: {  	s14 =	simm.s32 $0x11980  }
0x149: {  	[tilespmem:s14], [sflag:$0x1] =	stream.indirect_vreg.gather [hbm4b:s7+s4], $0x80, v4, vm0, $0xb8;
	[tilespmem:$0x18180] =	vst v63  }
0x14a: {  	v4 =	vld [tilespmem:$0xE0];
	_ =	sdelay $0x4  }
0x14b: {  	v5 =	vshrl.u32 v4, $0x3  }
0x14c: {  	v5 =	vmul.u32 $0x30, v5  }
0x14d: {  	v4 =	vand.u32 $0x7, v4  }
0x14e: {  	v4 =	vor.u32 v4, v5  }
0x14f: {  	v5 =	vperm.xlane v4, v1;
	_ =	sdelay $0x1  }
0x150: {  	v5 =	vadd.s32 v2, v5;
	_ =	sdelay $0x3  }
0x151: {  	s15 =	simm.s32 $0x12180;
	v4 =	vperm.xlane v4, v3  }
0x152: {  	[tilespmem:s15], [sflag:$0x1] =	stream.indirect_vreg.gather [hbm4b:s3+s4], $0x80, v5, vm0, $0xb8;
	[tilespmem:$0x18180] =	vst v63  }
0x153: {  	s2 =	simm.s32 $0x12980;
	v4 =	vadd.s32 v2, v4  }
0x154: {  	[tilespmem:s2], [sflag:$0x1] =	stream.indirect_vreg.gather [hbm4b:s6+s4], $0x80, v5, vm0, $0xb8;
	[tilespmem:$0x18180] =	vst v63  }
0x155: {  	s14 =	simm.s32 $0x13180  }
0x156: {  	[tilespmem:s14], [sflag:$0x1] =	stream.indirect_vreg.gather [hbm4b:s7+s4], $0x80, v5, vm0, $0xb8;
	[tilespmem:$0x18180] =	vst v63  }
0x157: {  	s15 =	simm.s32 $0x13980  }
0x158: {  	[tilespmem:s15], [sflag:$0x1] =	stream.indirect_vreg.gather [hbm4b:s3+s4], $0x80, v4, vm0, $0xb8;
	[tilespmem:$0x18180] =	vst v63  }
0x159: {  	s2 =	simm.s32 $0x14180  }
0x15a: {  	[tilespmem:s2], [sflag:$0x1] =	stream.indirect_vreg.gather [hbm4b:s6+s4], $0x80, v4, vm0, $0xb8;
	[tilespmem:$0x18180] =	vst v63  }
0x15b: {  	s14 =	simm.s32 $0x14980  }
0x15c: {  	[tilespmem:s14], [sflag:$0x1] =	stream.indirect_vreg.gather [hbm4b:s7+s4], $0x80, v4, vm0, $0xb8;
	[tilespmem:$0x18180] =	vst v63  }
0x15d: {  	v4 =	vld [tilespmem:$0xF0];
	_ =	sdelay $0x4  }
0x15e: {  	v5 =	vshrl.u32 v4, $0x3  }
0x15f: {  	v5 =	vmul.u32 $0x30, v5  }
0x160: {  	v4 =	vand.u32 $0x7, v4  }
0x161: {  	v4 =	vor.u32 v4, v5  }
0x162: {  	v5 =	vperm.xlane v4, v1;
	_ =	sdelay $0x1  }
0x163: {  	v5 =	vadd.s32 v2, v5;
	_ =	sdelay $0x3  }
0x164: {  	s15 =	simm.s32 $0x15180;
	v4 =	vperm.xlane v4, v3  }
0x165: {  	[tilespmem:s15], [sflag:$0x1] =	stream.indirect_vreg.gather [hbm4b:s3+s4], $0x80, v5, vm0, $0xb8;
	[tilespmem:$0x18180] =	vst v63  }
0x166: {  	s2 =	simm.s32 $0x15980;
	v4 =	vadd.s32 v2, v4  }
0x167: {  	[tilespmem:s2], [sflag:$0x1] =	stream.indirect_vreg.gather [hbm4b:s6+s4], $0x80, v5, vm0, $0xb8;
	[tilespmem:$0x18180] =	vst v63  }
0x168: {  	s14 =	simm.s32 $0x16180  }
0x169: {  	[tilespmem:s14], [sflag:$0x1] =	stream.indirect_vreg.gather [hbm4b:s7+s4], $0x80, v5, vm0, $0xb8;
	[tilespmem:$0x18180] =	vst v63  }
0x16a: {  	s15 =	simm.s32 $0x16980  }
0x16b: {  	[tilespmem:s15], [sflag:$0x1] =	stream.indirect_vreg.gather [hbm4b:s3+s4], $0x80, v4, vm0, $0xb8;
	[tilespmem:$0x18180] =	vst v63  }
0x16c: {  	s2 =	simm.s32 $0x17180  }
0x16d: {  	[tilespmem:s2], [sflag:$0x1] =	stream.indirect_vreg.gather [hbm4b:s6+s4], $0x80, v4, vm0, $0xb8;
	[tilespmem:$0x18180] =	vst v63  }
0x16e: {  	s14 =	simm.s32 $0x17980  }
0x16f: {  	[tilespmem:s14], [sflag:$0x1] =	stream.indirect_vreg.gather [hbm4b:s7+s4], $0x80, v4, vm0, $0xb8;
	[tilespmem:$0x18180] =	vst v63  }
0x170: {  	_ =	swait.ge [sflag:s11], $0xC000  }
0x171: {  	[sflag:s11] =	ssyncset.done $0x0  }
0x172: {  	s15 =	rddreg [dreg:$0x7];
	[sflag:s11] =	ssyncadd.s32 $0xFFFF4000  }
0x173: {  	[hbm4b:s15+s4] =	stream.linear.scatter [tilespmem:s0], [sflag:$0x2], $0xC000, $0x38;
	[tilespmem:$0x18180] =	vst v63  }
0x174: {  	p0 =	sne.s32 s8, $0x1;
	_ =	swait.ge [sflag:s13], $0xC000  }
.Ltmp0:
0x175: {  	[sflag:s13] =	ssyncset.done $0x0;
	(pc) =	sbr.rel @p0 .LBB2_1-.Ltmp0, $4  }
0x176: {  	[sflag:s13] =	ssyncadd.s32 $0xFFFF4000  }
0x177: {  	_ =	swait.ge [sflag:s13], $0xC000  }
0x178: {  	[sflag:s13] =	ssyncset.done $0x0  }
0x179: {  	s8 =	sadd.s32 $0xFFFFFFFF, s8;
	[sflag:s13] =	ssyncadd.s32 $0xFFFF4000  }
0x17a: {  	_ =	sfence.sel $0x180000  }
0x17b: {  	[bflag:$0x0] =	sbarrier.arrive $0xFFFF  }
0x17c: {  	_ =	strace $0x90000047  }
0x17d: {  	s0 =	stileid.u32;
	[bflag:$0x2] =	sbarrier.arrive $0xFFFF  }
0x17e: {  	p0 =	sne.s32 s0, $0x0;
	s0 =	rddreg [dreg:$0x3]  }
0x17f: {  	s0 =	sadd.s32 @!p0 $0x100000, s0  }
0x180: {  	[sflag:s0] =	ssyncadd.tile.s32 @!p0 $0x1;
	_ =	shalt  }
.Lfunc_end2:
_tile_overlayer_lowered:
.L_overlay_start_2:
0x181: {  	(tag) =	ssettag $0x2  }
0x182: {  	s0 =	rddreg [dreg:$0x0];
	s2 =	stileid.u32  }
0x183: {  	s1 =	rddreg [dreg:$0x1];
	p0 =	sne.s32 s2, $0x0  }
0x184: {  	s3 =	rddreg [dreg:$0x2];
	[bflag:$0x3] =	sbarrier.arrive $0xFFFF;
	s2 =	simm.s32 @!p0 $0x1C03  }
0x185: {  	[timem:s3], [sflag:s2] =	dma.local @!p0 [hbm:s0], s1  }
0x186: {  	s0 =	simm.s32 @!p0 $0x3  }
0x187: {  	_ =	swait.ge @!p0 [sflag:s0], s1  }
0x188: {  	s1 =	ssub.s32 @!p0 $0x0, s1;
	[sflag:s0] =	ssyncset.done @!p0 $0x0  }
0x189: {  	[sflag:s0] =	ssyncadd.s32 @!p0 s1  }
0x18a: {  	[bflag:$0x3] =	sbarrier.arrive $0xFFFF  }
0x18b: {  	_ =	shalt  }

</sc_bundles>
